<compile_context>
chip_gen: v7x
topology: tpu7x:2x2x1
jax: 0.10.2.dev20260603
libtpu: 0.0.44.dev20260713+nightly
codegen_flags: <defaults>
</compile_context>

<pallas_src>
import math

import jax
import jax.numpy as jnp
import numpy as np
from jax import lax
from jax.experimental import pallas as pl
from jax.experimental.pallas import tpu as pltpu
from jax.experimental.pallas import tpu_sc as plsc

_C = 3.0
_D = 500.0
_BATCH = 16384
_NC = 2
_NS = 16
_NW = _NC * _NS
_BPW = _BATCH // _NW
_LANES = 16
_ROWS = _BPW // 128
_K = np.float32(math.log(_C) / _D)


def _elo_body(mi_hbm, tab_hbm, out_hbm, idx_v, rows_v, out_v,
              sem_id, sem0, sem1, sem2, sem3):
    cid = lax.axis_index("c")
    sid = lax.axis_index("s")
    wid = sid * _NC + cid
    base = wid * np.int32(_BPW)
    sems = (sem0, sem1, sem2, sem3)

    cp_h = pltpu.async_copy(mi_hbm.at[np.int32(0), pl.ds(base, _BPW)],
                            idx_v.at[pl.ds(0, _BPW)], sem_id)
    cp_a = pltpu.async_copy(mi_hbm.at[np.int32(1), pl.ds(base, _BPW)],
                            idx_v.at[pl.ds(_BPW, _BPW)], sem_id)

    cp_h.wait()
    gh_list = []
    for j in range(_ROWS):
        o = j * 128
        gh_list.append(pltpu.async_copy(
            tab_hbm.at[idx_v.at[pl.ds(o, 128)]],
            rows_v.at[pl.ds(o, 128)], sems[j]))
    cp_a.wait()
    ga_list = []
    for j in range(_ROWS):
        o = _BPW + j * 128
        ga_list.append(pltpu.async_copy(
            tab_hbm.at[idx_v.at[pl.ds(o, 128)]],
            rows_v.at[pl.ds(o, 128)], sems[j]))

    one = np.float32(1.0)
    for j in range(_ROWS):
        gh_list[j].wait()
        ga_list[j].wait()
        for c in range(128 // _LANES):
            o = j * 128 + c * _LANES
            sl_h = pl.ds(o, _LANES)
            sl_a = pl.ds(_BPW + o, _LANES)
            x = (rows_v[sl_a] - rows_v[sl_h]) * _K
            out_v[pl.ds(o, _LANES)] = one / (one + jnp.exp(x))

    pltpu.sync_copy(out_v, out_hbm.at[pl.ds(base, _BPW)])


def kernel(matches, rating):
    mi = matches.astype(jnp.int32)
    tab = rating.astype(jnp.float16).astype(jnp.float32)
    mesh = plsc.VectorSubcoreMesh(core_axis_name="c", subcore_axis_name="s")
    out = pl.kernel(
        _elo_body,
        mesh=mesh,
        out_type=jax.ShapeDtypeStruct((_BATCH,), jnp.float32),
        scratch_types=[
            pltpu.VMEM((2 * _BPW,), jnp.int32),
            pltpu.VMEM((2 * _BPW,), jnp.float32),
            pltpu.VMEM((_BPW,), jnp.float32),
            pltpu.SemaphoreType.DMA,
            pltpu.SemaphoreType.DMA,
            pltpu.SemaphoreType.DMA,
            pltpu.SemaphoreType.DMA,
            pltpu.SemaphoreType.DMA,
        ],
    )(mi, tab)
    return out.astype(jnp.float64)

# --- scband reference (transcript-rebuilt; emitter-appended) ---
"""Pipeline reference for scband-elo-model-13477607375555 (READ-ONLY COPY).

The authoritative reference and input builder live on the scoring server;
editing this copy changes nothing except your own understanding.
"""

import jax, jax.numpy as jnp
import numpy as np

jax.config.update("jax_enable_x64", True)

# Elo meta-parameters (detached buffers in the torch module, defaults from elo_params)
C = 3.0
D = 500.0
TEAM_COUNT = 1000000
BATCH = 16384
DEFAULT = 1000.0


def setup_inputs(seed: int = 0) -> dict:
    key = jax.random.key(seed)
    k1, k2 = jax.random.split(key)
    # matches[0] = home team ids, matches[1] = away team ids
    matches = jax.random.randint(k1, (2, BATCH), 0, TEAM_COUNT, dtype=jnp.int64)
    # learned parameter: per-team rating, initialized to `default` (perturbed so outputs are non-degenerate)
    rating = jnp.full((TEAM_COUNT,), DEFAULT, dtype=jnp.float64)
    rating = rating + 50.0 * jax.random.normal(k2, (TEAM_COUNT,), dtype=jnp.float64)
    return {"matches": matches, "rating": rating}


def reference(matches, rating):
    # Faithful Elo expected-score forward:
    #   E_H = 1 / (1 + c ** (-(R_home - R_away) / d))
    home = matches[0]
    away = matches[1]
    r_h = jnp.take(rating, home, axis=0)
    r_a = jnp.take(rating, away, axis=0)
    E_H = 1.0 / (1.0 + jnp.power(jnp.float64(C), (r_a - r_h) / jnp.float64(D)))
    return E_H

if __name__ == "__main__":
    import jax
    _d = setup_inputs()
    print(jax.jit(kernel)(*tuple(_d.values())))

</pallas_src>

<mosaic_0001>
#map = affine_map<(d0, d1) -> (0, 0)>
#map1 = affine_map<(d0, d1) -> (0)>
module attributes {stable_mosaic.version = 14 : i64} {
  func.func @_elo_body(%arg0: i32, %arg1: i32, %arg2: memref<2x16384xi32, #tpu.memory_space<hbm>>, %arg3: memref<1000000xf32, #tpu.memory_space<hbm>>, %arg4: memref<16384xf32, #tpu.memory_space<hbm>>, %arg5: memref<1024xi32, #tpu.memory_space<vmem>>, %arg6: memref<1024xf32, #tpu.memory_space<vmem>>, %arg7: memref<512xf32, #tpu.memory_space<vmem>>, %arg8: memref<!tpu.dma_semaphore, #tpu.memory_space<semaphore_mem>>, %arg9: memref<!tpu.dma_semaphore, #tpu.memory_space<semaphore_mem>>, %arg10: memref<!tpu.dma_semaphore, #tpu.memory_space<semaphore_mem>>, %arg11: memref<!tpu.dma_semaphore, #tpu.memory_space<semaphore_mem>>, %arg12: memref<!tpu.dma_semaphore, #tpu.memory_space<semaphore_mem>>) attributes {dimension_semantics = [#tpu.dimension_semantics<core_parallel>, #tpu.dimension_semantics<subcore_parallel>], iteration_bounds = array<i64: 2, 16>, scalar_prefetch = 0 : i64, scratch_operands = 8 : i64, tpu.core_type = #tpu.core_type<sc_vector_subcore>, window_params = [{transform_indices = #map}, {transform_indices = #map1}, {transform_indices = #map1}]} {
    %mul3A = arith.constant 2 : i32
    %mul3A_0 = arith.muli %arg1, %mul3A : i32
    %add3A = arith.addi %mul3A_0, %arg0 : i32
    %mul3A_1 = arith.constant 512 : i32
    %mul3A_2 = arith.muli %add3A, %mul3A_1 : i32
    %dma_start3A = arith.constant 0 : i32
    %dma_start3A_3 = arith.constant 0 : i32
    %dma_start3A_4 = tpu.memref_slice %arg5[%dma_start3A_3] : memref<1024xi32, #tpu.memory_space<vmem>> -> memref<512xi32, #tpu.memory_space<vmem>>
    %dma_start3A_5 = tpu.memref_slice %arg2[%dma_start3A, %mul3A_2] : memref<2x16384xi32, #tpu.memory_space<hbm>> -> memref<1x512xi32, #tpu.memory_space<hbm>>
    %dma_start3A_6 = tpu.memref_squeeze %dma_start3A_5 : memref<1x512xi32, #tpu.memory_space<hbm>> -> memref<512xi32, #tpu.memory_space<hbm>>
    %dma_start3A_7 = arith.constant 0 : i32
    %dma_start3A_8 = tpu.memref_slice %arg5[%dma_start3A_7] : memref<1024xi32, #tpu.memory_space<vmem>> -> memref<512xi32, #tpu.memory_space<vmem>>
    %dma_start3A_9 = tpu.memref_slice %arg2[%dma_start3A, %mul3A_2] : memref<2x16384xi32, #tpu.memory_space<hbm>> -> memref<1x512xi32, #tpu.memory_space<hbm>>
    %dma_start3A_10 = tpu.memref_squeeze %dma_start3A_9 : memref<1x512xi32, #tpu.memory_space<hbm>> -> memref<512xi32, #tpu.memory_space<hbm>>
    tpu.enqueue_dma source(%dma_start3A_10 : memref<512xi32, #tpu.memory_space<hbm>>) target(%dma_start3A_8 : memref<512xi32, #tpu.memory_space<vmem>>) target_semaphore(%arg8 : memref<!tpu.dma_semaphore, #tpu.memory_space<semaphore_mem>>)
    %dma_start3A_11 = arith.constant 1 : i32
    %dma_start3A_12 = arith.constant 512 : i32
    %dma_start3A_13 = tpu.memref_slice %arg5[%dma_start3A_12] : memref<1024xi32, #tpu.memory_space<vmem>> -> memref<512xi32, #tpu.memory_space<vmem>>
    %dma_start3A_14 = tpu.memref_slice %arg2[%dma_start3A_11, %mul3A_2] : memref<2x16384xi32, #tpu.memory_space<hbm>> -> memref<1x512xi32, #tpu.memory_space<hbm>>
    %dma_start3A_15 = tpu.memref_squeeze %dma_start3A_14 : memref<1x512xi32, #tpu.memory_space<hbm>> -> memref<512xi32, #tpu.memory_space<hbm>>
    %dma_start3A_16 = arith.constant 512 : i32
    %dma_start3A_17 = tpu.memref_slice %arg5[%dma_start3A_16] : memref<1024xi32, #tpu.memory_space<vmem>> -> memref<512xi32, #tpu.memory_space<vmem>>
    %dma_start3A_18 = tpu.memref_slice %arg2[%dma_start3A_11, %mul3A_2] : memref<2x16384xi32, #tpu.memory_space<hbm>> -> memref<1x512xi32, #tpu.memory_space<hbm>>
    %dma_start3A_19 = tpu.memref_squeeze %dma_start3A_18 : memref<1x512xi32, #tpu.memory_space<hbm>> -> memref<512xi32, #tpu.memory_space<hbm>>
    tpu.enqueue_dma source(%dma_start3A_19 : memref<512xi32, #tpu.memory_space<hbm>>) target(%dma_start3A_17 : memref<512xi32, #tpu.memory_space<vmem>>) target_semaphore(%arg8 : memref<!tpu.dma_semaphore, #tpu.memory_space<semaphore_mem>>)
    %dma_wait3A = arith.constant 0 : i32
    %dma_wait3A_20 = arith.constant 0 : i32
    %dma_wait3A_21 = tpu.memref_slice %arg5[%dma_wait3A_20] : memref<1024xi32, #tpu.memory_space<vmem>> -> memref<512xi32, #tpu.memory_space<vmem>>
    %dma_wait3A_22 = tpu.memref_slice %arg2[%dma_wait3A, %mul3A_2] : memref<2x16384xi32, #tpu.memory_space<hbm>> -> memref<1x512xi32, #tpu.memory_space<hbm>>
    %dma_wait3A_23 = tpu.memref_squeeze %dma_wait3A_22 : memref<1x512xi32, #tpu.memory_space<hbm>> -> memref<512xi32, #tpu.memory_space<hbm>>
    %dma_wait3A_24 = arith.constant 0 : i32
    %dma_wait3A_25 = tpu.memref_slice %arg5[%dma_wait3A_24] : memref<1024xi32, #tpu.memory_space<vmem>> -> memref<512xi32, #tpu.memory_space<vmem>>
    %dma_wait3A_26 = tpu.memref_slice %arg2[%dma_wait3A, %mul3A_2] : memref<2x16384xi32, #tpu.memory_space<hbm>> -> memref<1x512xi32, #tpu.memory_space<hbm>>
    %dma_wait3A_27 = tpu.memref_squeeze %dma_wait3A_26 : memref<1x512xi32, #tpu.memory_space<hbm>> -> memref<512xi32, #tpu.memory_space<hbm>>
    tpu.wait_dma2 semaphore(%arg8 : memref<!tpu.dma_semaphore, #tpu.memory_space<semaphore_mem>>) src(%dma_wait3A_27 : memref<512xi32, #tpu.memory_space<hbm>>) dst(%dma_wait3A_25 : memref<512xi32, #tpu.memory_space<vmem>>)
    %dma_start3A_28 = arith.constant 0 : i32
    %dma_start3A_29 = tpu.memref_slice %arg6[%dma_start3A_28] : memref<1024xf32, #tpu.memory_space<vmem>> -> memref<128xf32, #tpu.memory_space<vmem>>
    %dma_start3A_30 = arith.constant 0 : i32
    %dma_start3A_31 = tpu.memref_slice %arg5[%dma_start3A_30] : memref<1024xi32, #tpu.memory_space<vmem>> -> memref<128xi32, #tpu.memory_space<vmem>>
    %dma_start3A_32 = arith.constant 0 : i32
    %dma_start3A_33 = tpu.memref_slice %arg3[%dma_start3A_32] : memref<1000000xf32, #tpu.memory_space<hbm>> -> memref<1000000xf32, #tpu.memory_space<hbm>>
    tpu.enqueue_indirect_dma source(%dma_start3A_33 : memref<1000000xf32, #tpu.memory_space<hbm>>) target(%dma_start3A_29 : memref<128xf32, #tpu.memory_space<vmem>>) offsets(%dma_start3A_31 : memref<128xi32, #tpu.memory_space<vmem>>) semaphore(%arg9 : memref<!tpu.dma_semaphore, #tpu.memory_space<semaphore_mem>>)
    %dma_start3A_34 = arith.constant 128 : i32
    %dma_start3A_35 = tpu.memref_slice %arg6[%dma_start3A_34] : memref<1024xf32, #tpu.memory_space<vmem>> -> memref<128xf32, #tpu.memory_space<vmem>>
    %dma_start3A_36 = arith.constant 128 : i32
    %dma_start3A_37 = tpu.memref_slice %arg5[%dma_start3A_36] : memref<1024xi32, #tpu.memory_space<vmem>> -> memref<128xi32, #tpu.memory_space<vmem>>
    %dma_start3A_38 = arith.constant 0 : i32
    %dma_start3A_39 = tpu.memref_slice %arg3[%dma_start3A_38] : memref<1000000xf32, #tpu.memory_space<hbm>> -> memref<1000000xf32, #tpu.memory_space<hbm>>
    tpu.enqueue_indirect_dma source(%dma_start3A_39 : memref<1000000xf32, #tpu.memory_space<hbm>>) target(%dma_start3A_35 : memref<128xf32, #tpu.memory_space<vmem>>) offsets(%dma_start3A_37 : memref<128xi32, #tpu.memory_space<vmem>>) semaphore(%arg10 : memref<!tpu.dma_semaphore, #tpu.memory_space<semaphore_mem>>)
    %dma_start3A_40 = arith.constant 256 : i32
    %dma_start3A_41 = tpu.memref_slice %arg6[%dma_start3A_40] : memref<1024xf32, #tpu.memory_space<vmem>> -> memref<128xf32, #tpu.memory_space<vmem>>
    %dma_start3A_42 = arith.constant 256 : i32
    %dma_start3A_43 = tpu.memref_slice %arg5[%dma_start3A_42] : memref<1024xi32, #tpu.memory_space<vmem>> -> memref<128xi32, #tpu.memory_space<vmem>>
    %dma_start3A_44 = arith.constant 0 : i32
    %dma_start3A_45 = tpu.memref_slice %arg3[%dma_start3A_44] : memref<1000000xf32, #tpu.memory_space<hbm>> -> memref<1000000xf32, #tpu.memory_space<hbm>>
    tpu.enqueue_indirect_dma source(%dma_start3A_45 : memref<1000000xf32, #tpu.memory_space<hbm>>) target(%dma_start3A_41 : memref<128xf32, #tpu.memory_space<vmem>>) offsets(%dma_start3A_43 : memref<128xi32, #tpu.memory_space<vmem>>) semaphore(%arg11 : memref<!tpu.dma_semaphore, #tpu.memory_space<semaphore_mem>>)
    %dma_start3A_46 = arith.constant 384 : i32
    %dma_start3A_47 = tpu.memref_slice %arg6[%dma_start3A_46] : memref<1024xf32, #tpu.memory_space<vmem>> -> memref<128xf32, #tpu.memory_space<vmem>>
    %dma_start3A_48 = arith.constant 384 : i32
    %dma_start3A_49 = tpu.memref_slice %arg5[%dma_start3A_48] : memref<1024xi32, #tpu.memory_space<vmem>> -> memref<128xi32, #tpu.memory_space<vmem>>
    %dma_start3A_50 = arith.constant 0 : i32
    %dma_start3A_51 = tpu.memref_slice %arg3[%dma_start3A_50] : memref<1000000xf32, #tpu.memory_space<hbm>> -> memref<1000000xf32, #tpu.memory_space<hbm>>
    tpu.enqueue_indirect_dma source(%dma_start3A_51 : memref<1000000xf32, #tpu.memory_space<hbm>>) target(%dma_start3A_47 : memref<128xf32, #tpu.memory_space<vmem>>) offsets(%dma_start3A_49 : memref<128xi32, #tpu.memory_space<vmem>>) semaphore(%arg12 : memref<!tpu.dma_semaphore, #tpu.memory_space<semaphore_mem>>)
    %dma_wait3A_52 = arith.constant 1 : i32
    %dma_wait3A_53 = arith.constant 512 : i32
    %dma_wait3A_54 = tpu.memref_slice %arg5[%dma_wait3A_53] : memref<1024xi32, #tpu.memory_space<vmem>> -> memref<512xi32, #tpu.memory_space<vmem>>
    %dma_wait3A_55 = tpu.memref_slice %arg2[%dma_wait3A_52, %mul3A_2] : memref<2x16384xi32, #tpu.memory_space<hbm>> -> memref<1x512xi32, #tpu.memory_space<hbm>>
    %dma_wait3A_56 = tpu.memref_squeeze %dma_wait3A_55 : memref<1x512xi32, #tpu.memory_space<hbm>> -> memref<512xi32, #tpu.memory_space<hbm>>
    %dma_wait3A_57 = arith.constant 512 : i32
    %dma_wait3A_58 = tpu.memref_slice %arg5[%dma_wait3A_57] : memref<1024xi32, #tpu.memory_space<vmem>> -> memref<512xi32, #tpu.memory_space<vmem>>
    %dma_wait3A_59 = tpu.memref_slice %arg2[%dma_wait3A_52, %mul3A_2] : memref<2x16384xi32, #tpu.memory_space<hbm>> -> memref<1x512xi32, #tpu.memory_space<hbm>>
    %dma_wait3A_60 = tpu.memref_squeeze %dma_wait3A_59 : memref<1x512xi32, #tpu.memory_space<hbm>> -> memref<512xi32, #tpu.memory_space<hbm>>
    tpu.wait_dma2 semaphore(%arg8 : memref<!tpu.dma_semaphore, #tpu.memory_space<semaphore_mem>>) src(%dma_wait3A_60 : memref<512xi32, #tpu.memory_space<hbm>>) dst(%dma_wait3A_58 : memref<512xi32, #tpu.memory_space<vmem>>)
    %dma_start3A_61 = arith.constant 512 : i32
    %dma_start3A_62 = tpu.memref_slice %arg6[%dma_start3A_61] : memref<1024xf32, #tpu.memory_space<vmem>> -> memref<128xf32, #tpu.memory_space<vmem>>
    %dma_start3A_63 = arith.constant 512 : i32
    %dma_start3A_64 = tpu.memref_slice %arg5[%dma_start3A_63] : memref<1024xi32, #tpu.memory_space<vmem>> -> memref<128xi32, #tpu.memory_space<vmem>>
    %dma_start3A_65 = arith.constant 0 : i32
    %dma_start3A_66 = tpu.memref_slice %arg3[%dma_start3A_65] : memref<1000000xf32, #tpu.memory_space<hbm>> -> memref<1000000xf32, #tpu.memory_space<hbm>>
    tpu.enqueue_indirect_dma source(%dma_start3A_66 : memref<1000000xf32, #tpu.memory_space<hbm>>) target(%dma_start3A_62 : memref<128xf32, #tpu.memory_space<vmem>>) offsets(%dma_start3A_64 : memref<128xi32, #tpu.memory_space<vmem>>) semaphore(%arg9 : memref<!tpu.dma_semaphore, #tpu.memory_space<semaphore_mem>>)
    %dma_start3A_67 = arith.constant 640 : i32
    %dma_start3A_68 = tpu.memref_slice %arg6[%dma_start3A_67] : memref<1024xf32, #tpu.memory_space<vmem>> -> memref<128xf32, #tpu.memory_space<vmem>>
    %dma_start3A_69 = arith.constant 640 : i32
    %dma_start3A_70 = tpu.memref_slice %arg5[%dma_start3A_69] : memref<1024xi32, #tpu.memory_space<vmem>> -> memref<128xi32, #tpu.memory_space<vmem>>
    %dma_start3A_71 = arith.constant 0 : i32
    %dma_start3A_72 = tpu.memref_slice %arg3[%dma_start3A_71] : memref<1000000xf32, #tpu.memory_space<hbm>> -> memref<1000000xf32, #tpu.memory_space<hbm>>
    tpu.enqueue_indirect_dma source(%dma_start3A_72 : memref<1000000xf32, #tpu.memory_space<hbm>>) target(%dma_start3A_68 : memref<128xf32, #tpu.memory_space<vmem>>) offsets(%dma_start3A_70 : memref<128xi32, #tpu.memory_space<vmem>>) semaphore(%arg10 : memref<!tpu.dma_semaphore, #tpu.memory_space<semaphore_mem>>)
    %dma_start3A_73 = arith.constant 768 : i32
    %dma_start3A_74 = tpu.memref_slice %arg6[%dma_start3A_73] : memref<1024xf32, #tpu.memory_space<vmem>> -> memref<128xf32, #tpu.memory_space<vmem>>
    %dma_start3A_75 = arith.constant 768 : i32
    %dma_start3A_76 = tpu.memref_slice %arg5[%dma_start3A_75] : memref<1024xi32, #tpu.memory_space<vmem>> -> memref<128xi32, #tpu.memory_space<vmem>>
    %dma_start3A_77 = arith.constant 0 : i32
    %dma_start3A_78 = tpu.memref_slice %arg3[%dma_start3A_77] : memref<1000000xf32, #tpu.memory_space<hbm>> -> memref<1000000xf32, #tpu.memory_space<hbm>>
    tpu.enqueue_indirect_dma source(%dma_start3A_78 : memref<1000000xf32, #tpu.memory_space<hbm>>) target(%dma_start3A_74 : memref<128xf32, #tpu.memory_space<vmem>>) offsets(%dma_start3A_76 : memref<128xi32, #tpu.memory_space<vmem>>) semaphore(%arg11 : memref<!tpu.dma_semaphore, #tpu.memory_space<semaphore_mem>>)
    %dma_start3A_79 = arith.constant 896 : i32
    %dma_start3A_80 = tpu.memref_slice %arg6[%dma_start3A_79] : memref<1024xf32, #tpu.memory_space<vmem>> -> memref<128xf32, #tpu.memory_space<vmem>>
    %dma_start3A_81 = arith.constant 896 : i32
    %dma_start3A_82 = tpu.memref_slice %arg5[%dma_start3A_81] : memref<1024xi32, #tpu.memory_space<vmem>> -> memref<128xi32, #tpu.memory_space<vmem>>
    %dma_start3A_83 = arith.constant 0 : i32
    %dma_start3A_84 = tpu.memref_slice %arg3[%dma_start3A_83] : memref<1000000xf32, #tpu.memory_space<hbm>> -> memref<1000000xf32, #tpu.memory_space<hbm>>
    tpu.enqueue_indirect_dma source(%dma_start3A_84 : memref<1000000xf32, #tpu.memory_space<hbm>>) target(%dma_start3A_80 : memref<128xf32, #tpu.memory_space<vmem>>) offsets(%dma_start3A_82 : memref<128xi32, #tpu.memory_space<vmem>>) semaphore(%arg12 : memref<!tpu.dma_semaphore, #tpu.memory_space<semaphore_mem>>)
    %dma_wait3A_85 = arith.constant 0 : i32
    %dma_wait3A_86 = tpu.memref_slice %arg6[%dma_wait3A_85] : memref<1024xf32, #tpu.memory_space<vmem>> -> memref<128xf32, #tpu.memory_space<vmem>>
    %dma_wait3A_87 = arith.constant 0 : i32
    %dma_wait3A_88 = tpu.memref_slice %arg5[%dma_wait3A_87] : memref<1024xi32, #tpu.memory_space<vmem>> -> memref<128xi32, #tpu.memory_space<vmem>>
    %dma_wait3A_89 = arith.constant 0 : i32
    %dma_wait3A_90 = tpu.memref_slice %arg3[%dma_wait3A_89] : memref<1000000xf32, #tpu.memory_space<hbm>> -> memref<1000000xf32, #tpu.memory_space<hbm>>
    tpu.wait_indirect_dma semaphore(%arg9 : memref<!tpu.dma_semaphore, #tpu.memory_space<semaphore_mem>>) src(%dma_wait3A_90 : memref<1000000xf32, #tpu.memory_space<hbm>>) dst(%dma_wait3A_86 : memref<128xf32, #tpu.memory_space<vmem>>)
    %dma_wait3A_91 = arith.constant 512 : i32
    %dma_wait3A_92 = tpu.memref_slice %arg6[%dma_wait3A_91] : memref<1024xf32, #tpu.memory_space<vmem>> -> memref<128xf32, #tpu.memory_space<vmem>>
    %dma_wait3A_93 = arith.constant 512 : i32
    %dma_wait3A_94 = tpu.memref_slice %arg5[%dma_wait3A_93] : memref<1024xi32, #tpu.memory_space<vmem>> -> memref<128xi32, #tpu.memory_space<vmem>>
    %dma_wait3A_95 = arith.constant 0 : i32
    %dma_wait3A_96 = tpu.memref_slice %arg3[%dma_wait3A_95] : memref<1000000xf32, #tpu.memory_space<hbm>> -> memref<1000000xf32, #tpu.memory_space<hbm>>
    tpu.wait_indirect_dma semaphore(%arg9 : memref<!tpu.dma_semaphore, #tpu.memory_space<semaphore_mem>>) src(%dma_wait3A_96 : memref<1000000xf32, #tpu.memory_space<hbm>>) dst(%dma_wait3A_92 : memref<128xf32, #tpu.memory_space<vmem>>)
    %get3A = arith.constant 512 : index
    %get3A_97 = tpu.vector_load %arg6[%get3A] {strides = array<i32>} : memref<1024xf32, #tpu.memory_space<vmem>>, vector<16xf32>,
    %get3A_98 = vector.shape_cast %get3A_97 : vector<16xf32> to vector<16xf32>
    %get3A_99 = arith.constant 0 : index
    %get3A_100 = tpu.vector_load %arg6[%get3A_99] {strides = array<i32>} : memref<1024xf32, #tpu.memory_space<vmem>>, vector<16xf32>,
    %get3A_101 = vector.shape_cast %get3A_100 : vector<16xf32> to vector<16xf32>
    %sub3A = arith.subf %get3A_98, %get3A_101 : vector<16xf32>
    %mul3A_102 = arith.constant 0.00219722465 : f32
    %mul3A_103 = vector.broadcast %mul3A_102 : f32 to vector<16xf32>
    %mul3A_104 = arith.mulf %sub3A, %mul3A_103 : vector<16xf32>
    %exp3A = math.exp %mul3A_104 : vector<16xf32>
    %add3A_105 = arith.constant 1.000000e+00 : f32
    %add3A_106 = vector.broadcast %add3A_105 : f32 to vector<16xf32>
    %add3A_107 = arith.addf %add3A_106, %exp3A : vector<16xf32>
    %div3A = arith.constant 1.000000e+00 : f32
    %div3A_108 = vector.broadcast %div3A : f32 to vector<16xf32>
    %div3A_109 = arith.divf %div3A_108, %add3A_107 : vector<16xf32>
    %swap3A = arith.constant 0 : index
    %swap3A_110 = tpu.vector_load %arg7[%swap3A] {strides = array<i32>} : memref<512xf32, #tpu.memory_space<vmem>>, vector<16xf32>,
    %swap3A_111 = vector.shape_cast %swap3A_110 : vector<16xf32> to vector<16xf32>
    %swap3A_112 = vector.shape_cast %div3A_109 : vector<16xf32> to vector<16xf32>
    tpu.vector_store %arg7[%swap3A], %swap3A_112 {strides = array<i32>} : memref<512xf32, #tpu.memory_space<vmem>>, vector<16xf32>,
    %get3A_113 = arith.constant 528 : index
    %get3A_114 = tpu.vector_load %arg6[%get3A_113] {strides = array<i32>} : memref<1024xf32, #tpu.memory_space<vmem>>, vector<16xf32>,
    %get3A_115 = vector.shape_cast %get3A_114 : vector<16xf32> to vector<16xf32>
    %get3A_116 = arith.constant 16 : index
    %get3A_117 = tpu.vector_load %arg6[%get3A_116] {strides = array<i32>} : memref<1024xf32, #tpu.memory_space<vmem>>, vector<16xf32>,
    %get3A_118 = vector.shape_cast %get3A_117 : vector<16xf32> to vector<16xf32>
    %sub3A_119 = arith.subf %get3A_115, %get3A_118 : vector<16xf32>
    %mul3A_120 = arith.constant 0.00219722465 : f32
    %mul3A_121 = vector.broadcast %mul3A_120 : f32 to vector<16xf32>
    %mul3A_122 = arith.mulf %sub3A_119, %mul3A_121 : vector<16xf32>
    %exp3A_123 = math.exp %mul3A_122 : vector<16xf32>
    %add3A_124 = arith.constant 1.000000e+00 : f32
    %add3A_125 = vector.broadcast %add3A_124 : f32 to vector<16xf32>
    %add3A_126 = arith.addf %add3A_125, %exp3A_123 : vector<16xf32>
    %div3A_127 = arith.constant 1.000000e+00 : f32
    %div3A_128 = vector.broadcast %div3A_127 : f32 to vector<16xf32>
    %div3A_129 = arith.divf %div3A_128, %add3A_126 : vector<16xf32>
    %swap3A_130 = arith.constant 16 : index
    %swap3A_131 = tpu.vector_load %arg7[%swap3A_130] {strides = array<i32>} : memref<512xf32, #tpu.memory_space<vmem>>, vector<16xf32>,
    %swap3A_132 = vector.shape_cast %swap3A_131 : vector<16xf32> to vector<16xf32>
    %swap3A_133 = vector.shape_cast %div3A_129 : vector<16xf32> to vector<16xf32>
    tpu.vector_store %arg7[%swap3A_130], %swap3A_133 {strides = array<i32>} : memref<512xf32, #tpu.memory_space<vmem>>, vector<16xf32>,
    %get3A_134 = arith.constant 544 : index
    %get3A_135 = tpu.vector_load %arg6[%get3A_134] {strides = array<i32>} : memref<1024xf32, #tpu.memory_space<vmem>>, vector<16xf32>,
    %get3A_136 = vector.shape_cast %get3A_135 : vector<16xf32> to vector<16xf32>
    %get3A_137 = arith.constant 32 : index
    %get3A_138 = tpu.vector_load %arg6[%get3A_137] {strides = array<i32>} : memref<1024xf32, #tpu.memory_space<vmem>>, vector<16xf32>,
    %get3A_139 = vector.shape_cast %get3A_138 : vector<16xf32> to vector<16xf32>
    %sub3A_140 = arith.subf %get3A_136, %get3A_139 : vector<16xf32>
    %mul3A_141 = arith.constant 0.00219722465 : f32
    %mul3A_142 = vector.broadcast %mul3A_141 : f32 to vector<16xf32>
    %mul3A_143 = arith.mulf %sub3A_140, %mul3A_142 : vector<16xf32>
    %exp3A_144 = math.exp %mul3A_143 : vector<16xf32>
    %add3A_145 = arith.constant 1.000000e+00 : f32
    %add3A_146 = vector.broadcast %add3A_145 : f32 to vector<16xf32>
    %add3A_147 = arith.addf %add3A_146, %exp3A_144 : vector<16xf32>
    %div3A_148 = arith.constant 1.000000e+00 : f32
    %div3A_149 = vector.broadcast %div3A_148 : f32 to vector<16xf32>
    %div3A_150 = arith.divf %div3A_149, %add3A_147 : vector<16xf32>
    %swap3A_151 = arith.constant 32 : index
    %swap3A_152 = tpu.vector_load %arg7[%swap3A_151] {strides = array<i32>} : memref<512xf32, #tpu.memory_space<vmem>>, vector<16xf32>,
    %swap3A_153 = vector.shape_cast %swap3A_152 : vector<16xf32> to vector<16xf32>
    %swap3A_154 = vector.shape_cast %div3A_150 : vector<16xf32> to vector<16xf32>
    tpu.vector_store %arg7[%swap3A_151], %swap3A_154 {strides = array<i32>} : memref<512xf32, #tpu.memory_space<vmem>>, vector<16xf32>,
    %get3A_155 = arith.constant 560 : index
    %get3A_156 = tpu.vector_load %arg6[%get3A_155] {strides = array<i32>} : memref<1024xf32, #tpu.memory_space<vmem>>, vector<16xf32>,
    %get3A_157 = vector.shape_cast %get3A_156 : vector<16xf32> to vector<16xf32>
    %get3A_158 = arith.constant 48 : index
    %get3A_159 = tpu.vector_load %arg6[%get3A_158] {strides = array<i32>} : memref<1024xf32, #tpu.memory_space<vmem>>, vector<16xf32>,
    %get3A_160 = vector.shape_cast %get3A_159 : vector<16xf32> to vector<16xf32>
    %sub3A_161 = arith.subf %get3A_157, %get3A_160 : vector<16xf32>
    %mul3A_162 = arith.constant 0.00219722465 : f32
    %mul3A_163 = vector.broadcast %mul3A_162 : f32 to vector<16xf32>
    %mul3A_164 = arith.mulf %sub3A_161, %mul3A_163 : vector<16xf32>
    %exp3A_165 = math.exp %mul3A_164 : vector<16xf32>
    %add3A_166 = arith.constant 1.000000e+00 : f32
    %add3A_167 = vector.broadcast %add3A_166 : f32 to vector<16xf32>
    %add3A_168 = arith.addf %add3A_167, %exp3A_165 : vector<16xf32>
    %div3A_169 = arith.constant 1.000000e+00 : f32
    %div3A_170 = vector.broadcast %div3A_169 : f32 to vector<16xf32>
    %div3A_171 = arith.divf %div3A_170, %add3A_168 : vector<16xf32>
    %swap3A_172 = arith.constant 48 : index
    %swap3A_173 = tpu.vector_load %arg7[%swap3A_172] {strides = array<i32>} : memref<512xf32, #tpu.memory_space<vmem>>, vector<16xf32>,
    %swap3A_174 = vector.shape_cast %swap3A_173 : vector<16xf32> to vector<16xf32>
    %swap3A_175 = vector.shape_cast %div3A_171 : vector<16xf32> to vector<16xf32>
    tpu.vector_store %arg7[%swap3A_172], %swap3A_175 {strides = array<i32>} : memref<512xf32, #tpu.memory_space<vmem>>, vector<16xf32>,
    %get3A_176 = arith.constant 576 : index
    %get3A_177 = tpu.vector_load %arg6[%get3A_176] {strides = array<i32>} : memref<1024xf32, #tpu.memory_space<vmem>>, vector<16xf32>,
    %get3A_178 = vector.shape_cast %get3A_177 : vector<16xf32> to vector<16xf32>
    %get3A_179 = arith.constant 64 : index
    %get3A_180 = tpu.vector_load %arg6[%get3A_179] {strides = array<i32>} : memref<1024xf32, #tpu.memory_space<vmem>>, vector<16xf32>,
    %get3A_181 = vector.shape_cast %get3A_180 : vector<16xf32> to vector<16xf32>
    %sub3A_182 = arith.subf %get3A_178, %get3A_181 : vector<16xf32>
    %mul3A_183 = arith.constant 0.00219722465 : f32
    %mul3A_184 = vector.broadcast %mul3A_183 : f32 to vector<16xf32>
    %mul3A_185 = arith.mulf %sub3A_182, %mul3A_184 : vector<16xf32>
    %exp3A_186 = math.exp %mul3A_185 : vector<16xf32>
    %add3A_187 = arith.constant 1.000000e+00 : f32
    %add3A_188 = vector.broadcast %add3A_187 : f32 to vector<16xf32>
    %add3A_189 = arith.addf %add3A_188, %exp3A_186 : vector<16xf32>
    %div3A_190 = arith.constant 1.000000e+00 : f32
    %div3A_191 = vector.broadcast %div3A_190 : f32 to vector<16xf32>
    %div3A_192 = arith.divf %div3A_191, %add3A_189 : vector<16xf32>
    %swap3A_193 = arith.constant 64 : index
    %swap3A_194 = tpu.vector_load %arg7[%swap3A_193] {strides = array<i32>} : memref<512xf32, #tpu.memory_space<vmem>>, vector<16xf32>,
    %swap3A_195 = vector.shape_cast %swap3A_194 : vector<16xf32> to vector<16xf32>
    %swap3A_196 = vector.shape_cast %div3A_192 : vector<16xf32> to vector<16xf32>
    tpu.vector_store %arg7[%swap3A_193], %swap3A_196 {strides = array<i32>} : memref<512xf32, #tpu.memory_space<vmem>>, vector<16xf32>,
    %get3A_197 = arith.constant 592 : index
    %get3A_198 = tpu.vector_load %arg6[%get3A_197] {strides = array<i32>} : memref<1024xf32, #tpu.memory_space<vmem>>, vector<16xf32>,
    %get3A_199 = vector.shape_cast %get3A_198 : vector<16xf32> to vector<16xf32>
    %get3A_200 = arith.constant 80 : index
    %get3A_201 = tpu.vector_load %arg6[%get3A_200] {strides = array<i32>} : memref<1024xf32, #tpu.memory_space<vmem>>, vector<16xf32>,
    %get3A_202 = vector.shape_cast %get3A_201 : vector<16xf32> to vector<16xf32>
    %sub3A_203 = arith.subf %get3A_199, %get3A_202 : vector<16xf32>
    %mul3A_204 = arith.constant 0.00219722465 : f32
    %mul3A_205 = vector.broadcast %mul3A_204 : f32 to vector<16xf32>
    %mul3A_206 = arith.mulf %sub3A_203, %mul3A_205 : vector<16xf32>
    %exp3A_207 = math.exp %mul3A_206 : vector<16xf32>
    %add3A_208 = arith.constant 1.000000e+00 : f32
    %add3A_209 = vector.broadcast %add3A_208 : f32 to vector<16xf32>
    %add3A_210 = arith.addf %add3A_209, %exp3A_207 : vector<16xf32>
    %div3A_211 = arith.constant 1.000000e+00 : f32
    %div3A_212 = vector.broadcast %div3A_211 : f32 to vector<16xf32>
    %div3A_213 = arith.divf %div3A_212, %add3A_210 : vector<16xf32>
    %swap3A_214 = arith.constant 80 : index
    %swap3A_215 = tpu.vector_load %arg7[%swap3A_214] {strides = array<i32>} : memref<512xf32, #tpu.memory_space<vmem>>, vector<16xf32>,
    %swap3A_216 = vector.shape_cast %swap3A_215 : vector<16xf32> to vector<16xf32>
    %swap3A_217 = vector.shape_cast %div3A_213 : vector<16xf32> to vector<16xf32>
    tpu.vector_store %arg7[%swap3A_214], %swap3A_217 {strides = array<i32>} : memref<512xf32, #tpu.memory_space<vmem>>, vector<16xf32>,
    %get3A_218 = arith.constant 608 : index
    %get3A_219 = tpu.vector_load %arg6[%get3A_218] {strides = array<i32>} : memref<1024xf32, #tpu.memory_space<vmem>>, vector<16xf32>,
    %get3A_220 = vector.shape_cast %get3A_219 : vector<16xf32> to vector<16xf32>
    %get3A_221 = arith.constant 96 : index
    %get3A_222 = tpu.vector_load %arg6[%get3A_221] {strides = array<i32>} : memref<1024xf32, #tpu.memory_space<vmem>>, vector<16xf32>,
    %get3A_223 = vector.shape_cast %get3A_222 : vector<16xf32> to vector<16xf32>
    %sub3A_224 = arith.subf %get3A_220, %get3A_223 : vector<16xf32>
    %mul3A_225 = arith.constant 0.00219722465 : f32
    %mul3A_226 = vector.broadcast %mul3A_225 : f32 to vector<16xf32>
    %mul3A_227 = arith.mulf %sub3A_224, %mul3A_226 : vector<16xf32>
    %exp3A_228 = math.exp %mul3A_227 : vector<16xf32>
    %add3A_229 = arith.constant 1.000000e+00 : f32
    %add3A_230 = vector.broadcast %add3A_229 : f32 to vector<16xf32>
    %add3A_231 = arith.addf %add3A_230, %exp3A_228 : vector<16xf32>
    %div3A_232 = arith.constant 1.000000e+00 : f32
    %div3A_233 = vector.broadcast %div3A_232 : f32 to vector<16xf32>
    %div3A_234 = arith.divf %div3A_233, %add3A_231 : vector<16xf32>
    %swap3A_235 = arith.constant 96 : index
    %swap3A_236 = tpu.vector_load %arg7[%swap3A_235] {strides = array<i32>} : memref<512xf32, #tpu.memory_space<vmem>>, vector<16xf32>,
    %swap3A_237 = vector.shape_cast %swap3A_236 : vector<16xf32> to vector<16xf32>
    %swap3A_238 = vector.shape_cast %div3A_234 : vector<16xf32> to vector<16xf32>
    tpu.vector_store %arg7[%swap3A_235], %swap3A_238 {strides = array<i32>} : memref<512xf32, #tpu.memory_space<vmem>>, vector<16xf32>,
    %get3A_239 = arith.constant 624 : index
    %get3A_240 = tpu.vector_load %arg6[%get3A_239] {strides = array<i32>} : memref<1024xf32, #tpu.memory_space<vmem>>, vector<16xf32>,
    %get3A_241 = vector.shape_cast %get3A_240 : vector<16xf32> to vector<16xf32>
    %get3A_242 = arith.constant 112 : index
    %get3A_243 = tpu.vector_load %arg6[%get3A_242] {strides = array<i32>} : memref<1024xf32, #tpu.memory_space<vmem>>, vector<16xf32>,
    %get3A_244 = vector.shape_cast %get3A_243 : vector<16xf32> to vector<16xf32>
    %sub3A_245 = arith.subf %get3A_241, %get3A_244 : vector<16xf32>
    %mul3A_246 = arith.constant 0.00219722465 : f32
    %mul3A_247 = vector.broadcast %mul3A_246 : f32 to vector<16xf32>
    %mul3A_248 = arith.mulf %sub3A_245, %mul3A_247 : vector<16xf32>
    %exp3A_249 = math.exp %mul3A_248 : vector<16xf32>
    %add3A_250 = arith.constant 1.000000e+00 : f32
    %add3A_251 = vector.broadcast %add3A_250 : f32 to vector<16xf32>
    %add3A_252 = arith.addf %add3A_251, %exp3A_249 : vector<16xf32>
    %div3A_253 = arith.constant 1.000000e+00 : f32
    %div3A_254 = vector.broadcast %div3A_253 : f32 to vector<16xf32>
    %div3A_255 = arith.divf %div3A_254, %add3A_252 : vector<16xf32>
    %swap3A_256 = arith.constant 112 : index
    %swap3A_257 = tpu.vector_load %arg7[%swap3A_256] {strides = array<i32>} : memref<512xf32, #tpu.memory_space<vmem>>, vector<16xf32>,
    %swap3A_258 = vector.shape_cast %swap3A_257 : vector<16xf32> to vector<16xf32>
    %swap3A_259 = vector.shape_cast %div3A_255 : vector<16xf32> to vector<16xf32>
    tpu.vector_store %arg7[%swap3A_256], %swap3A_259 {strides = array<i32>} : memref<512xf32, #tpu.memory_space<vmem>>, vector<16xf32>,
    %dma_wait3A_260 = arith.constant 128 : i32
    %dma_wait3A_261 = tpu.memref_slice %arg6[%dma_wait3A_260] : memref<1024xf32, #tpu.memory_space<vmem>> -> memref<128xf32, #tpu.memory_space<vmem>>
    %dma_wait3A_262 = arith.constant 128 : i32
    %dma_wait3A_263 = tpu.memref_slice %arg5[%dma_wait3A_262] : memref<1024xi32, #tpu.memory_space<vmem>> -> memref<128xi32, #tpu.memory_space<vmem>>
    %dma_wait3A_264 = arith.constant 0 : i32
    %dma_wait3A_265 = tpu.memref_slice %arg3[%dma_wait3A_264] : memref<1000000xf32, #tpu.memory_space<hbm>> -> memref<1000000xf32, #tpu.memory_space<hbm>>
    tpu.wait_indirect_dma semaphore(%arg10 : memref<!tpu.dma_semaphore, #tpu.memory_space<semaphore_mem>>) src(%dma_wait3A_265 : memref<1000000xf32, #tpu.memory_space<hbm>>) dst(%dma_wait3A_261 : memref<128xf32, #tpu.memory_space<vmem>>)
    %dma_wait3A_266 = arith.constant 640 : i32
    %dma_wait3A_267 = tpu.memref_slice %arg6[%dma_wait3A_266] : memref<1024xf32, #tpu.memory_space<vmem>> -> memref<128xf32, #tpu.memory_space<vmem>>
    %dma_wait3A_268 = arith.constant 640 : i32
    %dma_wait3A_269 = tpu.memref_slice %arg5[%dma_wait3A_268] : memref<1024xi32, #tpu.memory_space<vmem>> -> memref<128xi32, #tpu.memory_space<vmem>>
    %dma_wait3A_270 = arith.constant 0 : i32
    %dma_wait3A_271 = tpu.memref_slice %arg3[%dma_wait3A_270] : memref<1000000xf32, #tpu.memory_space<hbm>> -> memref<1000000xf32, #tpu.memory_space<hbm>>
    tpu.wait_indirect_dma semaphore(%arg10 : memref<!tpu.dma_semaphore, #tpu.memory_space<semaphore_mem>>) src(%dma_wait3A_271 : memref<1000000xf32, #tpu.memory_space<hbm>>) dst(%dma_wait3A_267 : memref<128xf32, #tpu.memory_space<vmem>>)
    %get3A_272 = arith.constant 640 : index
    %get3A_273 = tpu.vector_load %arg6[%get3A_272] {strides = array<i32>} : memref<1024xf32, #tpu.memory_space<vmem>>, vector<16xf32>,
    %get3A_274 = vector.shape_cast %get3A_273 : vector<16xf32> to vector<16xf32>
    %get3A_275 = arith.constant 128 : index
    %get3A_276 = tpu.vector_load %arg6[%get3A_275] {strides = array<i32>} : memref<1024xf32, #tpu.memory_space<vmem>>, vector<16xf32>,
    %get3A_277 = vector.shape_cast %get3A_276 : vector<16xf32> to vector<16xf32>
    %sub3A_278 = arith.subf %get3A_274, %get3A_277 : vector<16xf32>
    %mul3A_279 = arith.constant 0.00219722465 : f32
    %mul3A_280 = vector.broadcast %mul3A_279 : f32 to vector<16xf32>
    %mul3A_281 = arith.mulf %sub3A_278, %mul3A_280 : vector<16xf32>
    %exp3A_282 = math.exp %mul3A_281 : vector<16xf32>
    %add3A_283 = arith.constant 1.000000e+00 : f32
    %add3A_284 = vector.broadcast %add3A_283 : f32 to vector<16xf32>
    %add3A_285 = arith.addf %add3A_284, %exp3A_282 : vector<16xf32>
    %div3A_286 = arith.constant 1.000000e+00 : f32
    %div3A_287 = vector.broadcast %div3A_286 : f32 to vector<16xf32>
    %div3A_288 = arith.divf %div3A_287, %add3A_285 : vector<16xf32>
    %swap3A_289 = arith.constant 128 : index
    %swap3A_290 = tpu.vector_load %arg7[%swap3A_289] {strides = array<i32>} : memref<512xf32, #tpu.memory_space<vmem>>, vector<16xf32>,
    %swap3A_291 = vector.shape_cast %swap3A_290 : vector<16xf32> to vector<16xf32>
    %swap3A_292 = vector.shape_cast %div3A_288 : vector<16xf32> to vector<16xf32>
    tpu.vector_store %arg7[%swap3A_289], %swap3A_292 {strides = array<i32>} : memref<512xf32, #tpu.memory_space<vmem>>, vector<16xf32>,
    %get3A_293 = arith.constant 656 : index
    %get3A_294 = tpu.vector_load %arg6[%get3A_293] {strides = array<i32>} : memref<1024xf32, #tpu.memory_space<vmem>>, vector<16xf32>,
    %get3A_295 = vector.shape_cast %get3A_294 : vector<16xf32> to vector<16xf32>
    %get3A_296 = arith.constant 144 : index
    %get3A_297 = tpu.vector_load %arg6[%get3A_296] {strides = array<i32>} : memref<1024xf32, #tpu.memory_space<vmem>>, vector<16xf32>,
    %get3A_298 = vector.shape_cast %get3A_297 : vector<16xf32> to vector<16xf32>
    %sub3A_299 = arith.subf %get3A_295, %get3A_298 : vector<16xf32>
    %mul3A_300 = arith.constant 0.00219722465 : f32
    %mul3A_301 = vector.broadcast %mul3A_300 : f32 to vector<16xf32>
    %mul3A_302 = arith.mulf %sub3A_299, %mul3A_301 : vector<16xf32>
    %exp3A_303 = math.exp %mul3A_302 : vector<16xf32>
    %add3A_304 = arith.constant 1.000000e+00 : f32
    %add3A_305 = vector.broadcast %add3A_304 : f32 to vector<16xf32>
    %add3A_306 = arith.addf %add3A_305, %exp3A_303 : vector<16xf32>
    %div3A_307 = arith.constant 1.000000e+00 : f32
    %div3A_308 = vector.broadcast %div3A_307 : f32 to vector<16xf32>
    %div3A_309 = arith.divf %div3A_308, %add3A_306 : vector<16xf32>
    %swap3A_310 = arith.constant 144 : index
    %swap3A_311 = tpu.vector_load %arg7[%swap3A_310] {strides = array<i32>} : memref<512xf32, #tpu.memory_space<vmem>>, vector<16xf32>,
    %swap3A_312 = vector.shape_cast %swap3A_311 : vector<16xf32> to vector<16xf32>
    %swap3A_313 = vector.shape_cast %div3A_309 : vector<16xf32> to vector<16xf32>
    tpu.vector_store %arg7[%swap3A_310], %swap3A_313 {strides = array<i32>} : memref<512xf32, #tpu.memory_space<vmem>>, vector<16xf32>,
    %get3A_314 = arith.constant 672 : index
    %get3A_315 = tpu.vector_load %arg6[%get3A_314] {strides = array<i32>} : memref<1024xf32, #tpu.memory_space<vmem>>, vector<16xf32>,
    %get3A_316 = vector.shape_cast %get3A_315 : vector<16xf32> to vector<16xf32>
    %get3A_317 = arith.constant 160 : index
    %get3A_318 = tpu.vector_load %arg6[%get3A_317] {strides = array<i32>} : memref<1024xf32, #tpu.memory_space<vmem>>, vector<16xf32>,
    %get3A_319 = vector.shape_cast %get3A_318 : vector<16xf32> to vector<16xf32>
    %sub3A_320 = arith.subf %get3A_316, %get3A_319 : vector<16xf32>
    %mul3A_321 = arith.constant 0.00219722465 : f32
    %mul3A_322 = vector.broadcast %mul3A_321 : f32 to vector<16xf32>
    %mul3A_323 = arith.mulf %sub3A_320, %mul3A_322 : vector<16xf32>
    %exp3A_324 = math.exp %mul3A_323 : vector<16xf32>
    %add3A_325 = arith.constant 1.000000e+00 : f32
    %add3A_326 = vector.broadcast %add3A_325 : f32 to vector<16xf32>
    %add3A_327 = arith.addf %add3A_326, %exp3A_324 : vector<16xf32>
    %div3A_328 = arith.constant 1.000000e+00 : f32
    %div3A_329 = vector.broadcast %div3A_328 : f32 to vector<16xf32>
    %div3A_330 = arith.divf %div3A_329, %add3A_327 : vector<16xf32>
    %swap3A_331 = arith.constant 160 : index
    %swap3A_332 = tpu.vector_load %arg7[%swap3A_331] {strides = array<i32>} : memref<512xf32, #tpu.memory_space<vmem>>, vector<16xf32>,
    %swap3A_333 = vector.shape_cast %swap3A_332 : vector<16xf32> to vector<16xf32>
    %swap3A_334 = vector.shape_cast %div3A_330 : vector<16xf32> to vector<16xf32>
    tpu.vector_store %arg7[%swap3A_331], %swap3A_334 {strides = array<i32>} : memref<512xf32, #tpu.memory_space<vmem>>, vector<16xf32>,
    %get3A_335 = arith.constant 688 : index
    %get3A_336 = tpu.vector_load %arg6[%get3A_335] {strides = array<i32>} : memref<1024xf32, #tpu.memory_space<vmem>>, vector<16xf32>,
    %get3A_337 = vector.shape_cast %get3A_336 : vector<16xf32> to vector<16xf32>
    %get3A_338 = arith.constant 176 : index
    %get3A_339 = tpu.vector_load %arg6[%get3A_338] {strides = array<i32>} : memref<1024xf32, #tpu.memory_space<vmem>>, vector<16xf32>,
    %get3A_340 = vector.shape_cast %get3A_339 : vector<16xf32> to vector<16xf32>
    %sub3A_341 = arith.subf %get3A_337, %get3A_340 : vector<16xf32>
    %mul3A_342 = arith.constant 0.00219722465 : f32
    %mul3A_343 = vector.broadcast %mul3A_342 : f32 to vector<16xf32>
    %mul3A_344 = arith.mulf %sub3A_341, %mul3A_343 : vector<16xf32>
    %exp3A_345 = math.exp %mul3A_344 : vector<16xf32>
    %add3A_346 = arith.constant 1.000000e+00 : f32
    %add3A_347 = vector.broadcast %add3A_346 : f32 to vector<16xf32>
    %add3A_348 = arith.addf %add3A_347, %exp3A_345 : vector<16xf32>
    %div3A_349 = arith.constant 1.000000e+00 : f32
    %div3A_350 = vector.broadcast %div3A_349 : f32 to vector<16xf32>
    %div3A_351 = arith.divf %div3A_350, %add3A_348 : vector<16xf32>
    %swap3A_352 = arith.constant 176 : index
    %swap3A_353 = tpu.vector_load %arg7[%swap3A_352] {strides = array<i32>} : memref<512xf32, #tpu.memory_space<vmem>>, vector<16xf32>,
    %swap3A_354 = vector.shape_cast %swap3A_353 : vector<16xf32> to vector<16xf32>
    %swap3A_355 = vector.shape_cast %div3A_351 : vector<16xf32> to vector<16xf32>
    tpu.vector_store %arg7[%swap3A_352], %swap3A_355 {strides = array<i32>} : memref<512xf32, #tpu.memory_space<vmem>>, vector<16xf32>,
    %get3A_356 = arith.constant 704 : index
    %get3A_357 = tpu.vector_load %arg6[%get3A_356] {strides = array<i32>} : memref<1024xf32, #tpu.memory_space<vmem>>, vector<16xf32>,
    %get3A_358 = vector.shape_cast %get3A_357 : vector<16xf32> to vector<16xf32>
    %get3A_359 = arith.constant 192 : index
    %get3A_360 = tpu.vector_load %arg6[%get3A_359] {strides = array<i32>} : memref<1024xf32, #tpu.memory_space<vmem>>, vector<16xf32>,
    %get3A_361 = vector.shape_cast %get3A_360 : vector<16xf32> to vector<16xf32>
    %sub3A_362 = arith.subf %get3A_358, %get3A_361 : vector<16xf32>
    %mul3A_363 = arith.constant 0.00219722465 : f32
    %mul3A_364 = vector.broadcast %mul3A_363 : f32 to vector<16xf32>
    %mul3A_365 = arith.mulf %sub3A_362, %mul3A_364 : vector<16xf32>
    %exp3A_366 = math.exp %mul3A_365 : vector<16xf32>
    %add3A_367 = arith.constant 1.000000e+00 : f32
    %add3A_368 = vector.broadcast %add3A_367 : f32 to vector<16xf32>
    %add3A_369 = arith.addf %add3A_368, %exp3A_366 : vector<16xf32>
    %div3A_370 = arith.constant 1.000000e+00 : f32
    %div3A_371 = vector.broadcast %div3A_370 : f32 to vector<16xf32>
    %div3A_372 = arith.divf %div3A_371, %add3A_369 : vector<16xf32>
    %swap3A_373 = arith.constant 192 : index
    %swap3A_374 = tpu.vector_load %arg7[%swap3A_373] {strides = array<i32>} : memref<512xf32, #tpu.memory_space<vmem>>, vector<16xf32>,
    %swap3A_375 = vector.shape_cast %swap3A_374 : vector<16xf32> to vector<16xf32>
    %swap3A_376 = vector.shape_cast %div3A_372 : vector<16xf32> to vector<16xf32>
    tpu.vector_store %arg7[%swap3A_373], %swap3A_376 {strides = array<i32>} : memref<512xf32, #tpu.memory_space<vmem>>, vector<16xf32>,
    %get3A_377 = arith.constant 720 : index
    %get3A_378 = tpu.vector_load %arg6[%get3A_377] {strides = array<i32>} : memref<1024xf32, #tpu.memory_space<vmem>>, vector<16xf32>,
    %get3A_379 = vector.shape_cast %get3A_378 : vector<16xf32> to vector<16xf32>
    %get3A_380 = arith.constant 208 : index
    %get3A_381 = tpu.vector_load %arg6[%get3A_380] {strides = array<i32>} : memref<1024xf32, #tpu.memory_space<vmem>>, vector<16xf32>,
    %get3A_382 = vector.shape_cast %get3A_381 : vector<16xf32> to vector<16xf32>
    %sub3A_383 = arith.subf %get3A_379, %get3A_382 : vector<16xf32>
    %mul3A_384 = arith.constant 0.00219722465 : f32
    %mul3A_385 = vector.broadcast %mul3A_384 : f32 to vector<16xf32>
    %mul3A_386 = arith.mulf %sub3A_383, %mul3A_385 : vector<16xf32>
    %exp3A_387 = math.exp %mul3A_386 : vector<16xf32>
    %add3A_388 = arith.constant 1.000000e+00 : f32
    %add3A_389 = vector.broadcast %add3A_388 : f32 to vector<16xf32>
    %add3A_390 = arith.addf %add3A_389, %exp3A_387 : vector<16xf32>
    %div3A_391 = arith.constant 1.000000e+00 : f32
    %div3A_392 = vector.broadcast %div3A_391 : f32 to vector<16xf32>
    %div3A_393 = arith.divf %div3A_392, %add3A_390 : vector<16xf32>
    %swap3A_394 = arith.constant 208 : index
    %swap3A_395 = tpu.vector_load %arg7[%swap3A_394] {strides = array<i32>} : memref<512xf32, #tpu.memory_space<vmem>>, vector<16xf32>,
    %swap3A_396 = vector.shape_cast %swap3A_395 : vector<16xf32> to vector<16xf32>
    %swap3A_397 = vector.shape_cast %div3A_393 : vector<16xf32> to vector<16xf32>
    tpu.vector_store %arg7[%swap3A_394], %swap3A_397 {strides = array<i32>} : memref<512xf32, #tpu.memory_space<vmem>>, vector<16xf32>,
    %get3A_398 = arith.constant 736 : index
    %get3A_399 = tpu.vector_load %arg6[%get3A_398] {strides = array<i32>} : memref<1024xf32, #tpu.memory_space<vmem>>, vector<16xf32>,
    %get3A_400 = vector.shape_cast %get3A_399 : vector<16xf32> to vector<16xf32>
    %get3A_401 = arith.constant 224 : index
    %get3A_402 = tpu.vector_load %arg6[%get3A_401] {strides = array<i32>} : memref<1024xf32, #tpu.memory_space<vmem>>, vector<16xf32>,
    %get3A_403 = vector.shape_cast %get3A_402 : vector<16xf32> to vector<16xf32>
    %sub3A_404 = arith.subf %get3A_400, %get3A_403 : vector<16xf32>
    %mul3A_405 = arith.constant 0.00219722465 : f32
    %mul3A_406 = vector.broadcast %mul3A_405 : f32 to vector<16xf32>
    %mul3A_407 = arith.mulf %sub3A_404, %mul3A_406 : vector<16xf32>
    %exp3A_408 = math.exp %mul3A_407 : vector<16xf32>
    %add3A_409 = arith.constant 1.000000e+00 : f32
    %add3A_410 = vector.broadcast %add3A_409 : f32 to vector<16xf32>
    %add3A_411 = arith.addf %add3A_410, %exp3A_408 : vector<16xf32>
    %div3A_412 = arith.constant 1.000000e+00 : f32
    %div3A_413 = vector.broadcast %div3A_412 : f32 to vector<16xf32>
    %div3A_414 = arith.divf %div3A_413, %add3A_411 : vector<16xf32>
    %swap3A_415 = arith.constant 224 : index
    %swap3A_416 = tpu.vector_load %arg7[%swap3A_415] {strides = array<i32>} : memref<512xf32, #tpu.memory_space<vmem>>, vector<16xf32>,
    %swap3A_417 = vector.shape_cast %swap3A_416 : vector<16xf32> to vector<16xf32>
    %swap3A_418 = vector.shape_cast %div3A_414 : vector<16xf32> to vector<16xf32>
    tpu.vector_store %arg7[%swap3A_415], %swap3A_418 {strides = array<i32>} : memref<512xf32, #tpu.memory_space<vmem>>, vector<16xf32>,
    %get3A_419 = arith.constant 752 : index
    %get3A_420 = tpu.vector_load %arg6[%get3A_419] {strides = array<i32>} : memref<1024xf32, #tpu.memory_space<vmem>>, vector<16xf32>,
    %get3A_421 = vector.shape_cast %get3A_420 : vector<16xf32> to vector<16xf32>
    %get3A_422 = arith.constant 240 : index
    %get3A_423 = tpu.vector_load %arg6[%get3A_422] {strides = array<i32>} : memref<1024xf32, #tpu.memory_space<vmem>>, vector<16xf32>,
    %get3A_424 = vector.shape_cast %get3A_423 : vector<16xf32> to vector<16xf32>
    %sub3A_425 = arith.subf %get3A_421, %get3A_424 : vector<16xf32>
    %mul3A_426 = arith.constant 0.00219722465 : f32
    %mul3A_427 = vector.broadcast %mul3A_426 : f32 to vector<16xf32>
    %mul3A_428 = arith.mulf %sub3A_425, %mul3A_427 : vector<16xf32>
    %exp3A_429 = math.exp %mul3A_428 : vector<16xf32>
    %add3A_430 = arith.constant 1.000000e+00 : f32
    %add3A_431 = vector.broadcast %add3A_430 : f32 to vector<16xf32>
    %add3A_432 = arith.addf %add3A_431, %exp3A_429 : vector<16xf32>
    %div3A_433 = arith.constant 1.000000e+00 : f32
    %div3A_434 = vector.broadcast %div3A_433 : f32 to vector<16xf32>
    %div3A_435 = arith.divf %div3A_434, %add3A_432 : vector<16xf32>
    %swap3A_436 = arith.constant 240 : index
    %swap3A_437 = tpu.vector_load %arg7[%swap3A_436] {strides = array<i32>} : memref<512xf32, #tpu.memory_space<vmem>>, vector<16xf32>,
    %swap3A_438 = vector.shape_cast %swap3A_437 : vector<16xf32> to vector<16xf32>
    %swap3A_439 = vector.shape_cast %div3A_435 : vector<16xf32> to vector<16xf32>
    tpu.vector_store %arg7[%swap3A_436], %swap3A_439 {strides = array<i32>} : memref<512xf32, #tpu.memory_space<vmem>>, vector<16xf32>,
    %dma_wait3A_440 = arith.constant 256 : i32
    %dma_wait3A_441 = tpu.memref_slice %arg6[%dma_wait3A_440] : memref<1024xf32, #tpu.memory_space<vmem>> -> memref<128xf32, #tpu.memory_space<vmem>>
    %dma_wait3A_442 = arith.constant 256 : i32
    %dma_wait3A_443 = tpu.memref_slice %arg5[%dma_wait3A_442] : memref<1024xi32, #tpu.memory_space<vmem>> -> memref<128xi32, #tpu.memory_space<vmem>>
    %dma_wait3A_444 = arith.constant 0 : i32
    %dma_wait3A_445 = tpu.memref_slice %arg3[%dma_wait3A_444] : memref<1000000xf32, #tpu.memory_space<hbm>> -> memref<1000000xf32, #tpu.memory_space<hbm>>
    tpu.wait_indirect_dma semaphore(%arg11 : memref<!tpu.dma_semaphore, #tpu.memory_space<semaphore_mem>>) src(%dma_wait3A_445 : memref<1000000xf32, #tpu.memory_space<hbm>>) dst(%dma_wait3A_441 : memref<128xf32, #tpu.memory_space<vmem>>)
    %dma_wait3A_446 = arith.constant 768 : i32
    %dma_wait3A_447 = tpu.memref_slice %arg6[%dma_wait3A_446] : memref<1024xf32, #tpu.memory_space<vmem>> -> memref<128xf32, #tpu.memory_space<vmem>>
    %dma_wait3A_448 = arith.constant 768 : i32
    %dma_wait3A_449 = tpu.memref_slice %arg5[%dma_wait3A_448] : memref<1024xi32, #tpu.memory_space<vmem>> -> memref<128xi32, #tpu.memory_space<vmem>>
    %dma_wait3A_450 = arith.constant 0 : i32
    %dma_wait3A_451 = tpu.memref_slice %arg3[%dma_wait3A_450] : memref<1000000xf32, #tpu.memory_space<hbm>> -> memref<1000000xf32, #tpu.memory_space<hbm>>
    tpu.wait_indirect_dma semaphore(%arg11 : memref<!tpu.dma_semaphore, #tpu.memory_space<semaphore_mem>>) src(%dma_wait3A_451 : memref<1000000xf32, #tpu.memory_space<hbm>>) dst(%dma_wait3A_447 : memref<128xf32, #tpu.memory_space<vmem>>)
    %get3A_452 = arith.constant 768 : index
    %get3A_453 = tpu.vector_load %arg6[%get3A_452] {strides = array<i32>} : memref<1024xf32, #tpu.memory_space<vmem>>, vector<16xf32>,
    %get3A_454 = vector.shape_cast %get3A_453 : vector<16xf32> to vector<16xf32>
    %get3A_455 = arith.constant 256 : index
    %get3A_456 = tpu.vector_load %arg6[%get3A_455] {strides = array<i32>} : memref<1024xf32, #tpu.memory_space<vmem>>, vector<16xf32>,
    %get3A_457 = vector.shape_cast %get3A_456 : vector<16xf32> to vector<16xf32>
    %sub3A_458 = arith.subf %get3A_454, %get3A_457 : vector<16xf32>
    %mul3A_459 = arith.constant 0.00219722465 : f32
    %mul3A_460 = vector.broadcast %mul3A_459 : f32 to vector<16xf32>
    %mul3A_461 = arith.mulf %sub3A_458, %mul3A_460 : vector<16xf32>
    %exp3A_462 = math.exp %mul3A_461 : vector<16xf32>
    %add3A_463 = arith.constant 1.000000e+00 : f32
    %add3A_464 = vector.broadcast %add3A_463 : f32 to vector<16xf32>
    %add3A_465 = arith.addf %add3A_464, %exp3A_462 : vector<16xf32>
    %div3A_466 = arith.constant 1.000000e+00 : f32
    %div3A_467 = vector.broadcast %div3A_466 : f32 to vector<16xf32>
    %div3A_468 = arith.divf %div3A_467, %add3A_465 : vector<16xf32>
    %swap3A_469 = arith.constant 256 : index
    %swap3A_470 = tpu.vector_load %arg7[%swap3A_469] {strides = array<i32>} : memref<512xf32, #tpu.memory_space<vmem>>, vector<16xf32>,
    %swap3A_471 = vector.shape_cast %swap3A_470 : vector<16xf32> to vector<16xf32>
    %swap3A_472 = vector.shape_cast %div3A_468 : vector<16xf32> to vector<16xf32>
    tpu.vector_store %arg7[%swap3A_469], %swap3A_472 {strides = array<i32>} : memref<512xf32, #tpu.memory_space<vmem>>, vector<16xf32>,
    %get3A_473 = arith.constant 784 : index
    %get3A_474 = tpu.vector_load %arg6[%get3A_473] {strides = array<i32>} : memref<1024xf32, #tpu.memory_space<vmem>>, vector<16xf32>,
    %get3A_475 = vector.shape_cast %get3A_474 : vector<16xf32> to vector<16xf32>
    %get3A_476 = arith.constant 272 : index
    %get3A_477 = tpu.vector_load %arg6[%get3A_476] {strides = array<i32>} : memref<1024xf32, #tpu.memory_space<vmem>>, vector<16xf32>,
    %get3A_478 = vector.shape_cast %get3A_477 : vector<16xf32> to vector<16xf32>
    %sub3A_479 = arith.subf %get3A_475, %get3A_478 : vector<16xf32>
    %mul3A_480 = arith.constant 0.00219722465 : f32
    %mul3A_481 = vector.broadcast %mul3A_480 : f32 to vector<16xf32>
    %mul3A_482 = arith.mulf %sub3A_479, %mul3A_481 : vector<16xf32>
    %exp3A_483 = math.exp %mul3A_482 : vector<16xf32>
    %add3A_484 = arith.constant 1.000000e+00 : f32
    %add3A_485 = vector.broadcast %add3A_484 : f32 to vector<16xf32>
    %add3A_486 = arith.addf %add3A_485, %exp3A_483 : vector<16xf32>
    %div3A_487 = arith.constant 1.000000e+00 : f32
    %div3A_488 = vector.broadcast %div3A_487 : f32 to vector<16xf32>
    %div3A_489 = arith.divf %div3A_488, %add3A_486 : vector<16xf32>
    %swap3A_490 = arith.constant 272 : index
    %swap3A_491 = tpu.vector_load %arg7[%swap3A_490] {strides = array<i32>} : memref<512xf32, #tpu.memory_space<vmem>>, vector<16xf32>,
    %swap3A_492 = vector.shape_cast %swap3A_491 : vector<16xf32> to vector<16xf32>
    %swap3A_493 = vector.shape_cast %div3A_489 : vector<16xf32> to vector<16xf32>
    tpu.vector_store %arg7[%swap3A_490], %swap3A_493 {strides = array<i32>} : memref<512xf32, #tpu.memory_space<vmem>>, vector<16xf32>,
    %get3A_494 = arith.constant 800 : index
    %get3A_495 = tpu.vector_load %arg6[%get3A_494] {strides = array<i32>} : memref<1024xf32, #tpu.memory_space<vmem>>, vector<16xf32>,
    %get3A_496 = vector.shape_cast %get3A_495 : vector<16xf32> to vector<16xf32>
    %get3A_497 = arith.constant 288 : index
    %get3A_498 = tpu.vector_load %arg6[%get3A_497] {strides = array<i32>} : memref<1024xf32, #tpu.memory_space<vmem>>, vector<16xf32>,
    %get3A_499 = vector.shape_cast %get3A_498 : vector<16xf32> to vector<16xf32>
    %sub3A_500 = arith.subf %get3A_496, %get3A_499 : vector<16xf32>
    %mul3A_501 = arith.constant 0.00219722465 : f32
    %mul3A_502 = vector.broadcast %mul3A_501 : f32 to vector<16xf32>
    %mul3A_503 = arith.mulf %sub3A_500, %mul3A_502 : vector<16xf32>
    %exp3A_504 = math.exp %mul3A_503 : vector<16xf32>
    %add3A_505 = arith.constant 1.000000e+00 : f32
    %add3A_506 = vector.broadcast %add3A_505 : f32 to vector<16xf32>
    %add3A_507 = arith.addf %add3A_506, %exp3A_504 : vector<16xf32>
    %div3A_508 = arith.constant 1.000000e+00 : f32
    %div3A_509 = vector.broadcast %div3A_508 : f32 to vector<16xf32>
    %div3A_510 = arith.divf %div3A_509, %add3A_507 : vector<16xf32>
    %swap3A_511 = arith.constant 288 : index
    %swap3A_512 = tpu.vector_load %arg7[%swap3A_511] {strides = array<i32>} : memref<512xf32, #tpu.memory_space<vmem>>, vector<16xf32>,
    %swap3A_513 = vector.shape_cast %swap3A_512 : vector<16xf32> to vector<16xf32>
    %swap3A_514 = vector.shape_cast %div3A_510 : vector<16xf32> to vector<16xf32>
    tpu.vector_store %arg7[%swap3A_511], %swap3A_514 {strides = array<i32>} : memref<512xf32, #tpu.memory_space<vmem>>, vector<16xf32>,
    %get3A_515 = arith.constant 816 : index
    %get3A_516 = tpu.vector_load %arg6[%get3A_515] {strides = array<i32>} : memref<1024xf32, #tpu.memory_space<vmem>>, vector<16xf32>,
    %get3A_517 = vector.shape_cast %get3A_516 : vector<16xf32> to vector<16xf32>
    %get3A_518 = arith.constant 304 : index
    %get3A_519 = tpu.vector_load %arg6[%get3A_518] {strides = array<i32>} : memref<1024xf32, #tpu.memory_space<vmem>>, vector<16xf32>,
    %get3A_520 = vector.shape_cast %get3A_519 : vector<16xf32> to vector<16xf32>
    %sub3A_521 = arith.subf %get3A_517, %get3A_520 : vector<16xf32>
    %mul3A_522 = arith.constant 0.00219722465 : f32
    %mul3A_523 = vector.broadcast %mul3A_522 : f32 to vector<16xf32>
    %mul3A_524 = arith.mulf %sub3A_521, %mul3A_523 : vector<16xf32>
    %exp3A_525 = math.exp %mul3A_524 : vector<16xf32>
    %add3A_526 = arith.constant 1.000000e+00 : f32
    %add3A_527 = vector.broadcast %add3A_526 : f32 to vector<16xf32>
    %add3A_528 = arith.addf %add3A_527, %exp3A_525 : vector<16xf32>
    %div3A_529 = arith.constant 1.000000e+00 : f32
    %div3A_530 = vector.broadcast %div3A_529 : f32 to vector<16xf32>
    %div3A_531 = arith.divf %div3A_530, %add3A_528 : vector<16xf32>
    %swap3A_532 = arith.constant 304 : index
    %swap3A_533 = tpu.vector_load %arg7[%swap3A_532] {strides = array<i32>} : memref<512xf32, #tpu.memory_space<vmem>>, vector<16xf32>,
    %swap3A_534 = vector.shape_cast %swap3A_533 : vector<16xf32> to vector<16xf32>
    %swap3A_535 = vector.shape_cast %div3A_531 : vector<16xf32> to vector<16xf32>
    tpu.vector_store %arg7[%swap3A_532], %swap3A_535 {strides = array<i32>} : memref<512xf32, #tpu.memory_space<vmem>>, vector<16xf32>,
    %get3A_536 = arith.constant 832 : index
    %get3A_537 = tpu.vector_load %arg6[%get3A_536] {strides = array<i32>} : memref<1024xf32, #tpu.memory_space<vmem>>, vector<16xf32>,
    %get3A_538 = vector.shape_cast %get3A_537 : vector<16xf32> to vector<16xf32>
    %get3A_539 = arith.constant 320 : index
    %get3A_540 = tpu.vector_load %arg6[%get3A_539] {strides = array<i32>} : memref<1024xf32, #tpu.memory_space<vmem>>, vector<16xf32>,
    %get3A_541 = vector.shape_cast %get3A_540 : vector<16xf32> to vector<16xf32>
    %sub3A_542 = arith.subf %get3A_538, %get3A_541 : vector<16xf32>
    %mul3A_543 = arith.constant 0.00219722465 : f32
    %mul3A_544 = vector.broadcast %mul3A_543 : f32 to vector<16xf32>
    %mul3A_545 = arith.mulf %sub3A_542, %mul3A_544 : vector<16xf32>
    %exp3A_546 = math.exp %mul3A_545 : vector<16xf32>
    %add3A_547 = arith.constant 1.000000e+00 : f32
    %add3A_548 = vector.broadcast %add3A_547 : f32 to vector<16xf32>
    %add3A_549 = arith.addf %add3A_548, %exp3A_546 : vector<16xf32>
    %div3A_550 = arith.constant 1.000000e+00 : f32
    %div3A_551 = vector.broadcast %div3A_550 : f32 to vector<16xf32>
    %div3A_552 = arith.divf %div3A_551, %add3A_549 : vector<16xf32>
    %swap3A_553 = arith.constant 320 : index
    %swap3A_554 = tpu.vector_load %arg7[%swap3A_553] {strides = array<i32>} : memref<512xf32, #tpu.memory_space<vmem>>, vector<16xf32>,
    %swap3A_555 = vector.shape_cast %swap3A_554 : vector<16xf32> to vector<16xf32>
    %swap3A_556 = vector.shape_cast %div3A_552 : vector<16xf32> to vector<16xf32>
    tpu.vector_store %arg7[%swap3A_553], %swap3A_556 {strides = array<i32>} : memref<512xf32, #tpu.memory_space<vmem>>, vector<16xf32>,
    %get3A_557 = arith.constant 848 : index
    %get3A_558 = tpu.vector_load %arg6[%get3A_557] {strides = array<i32>} : memref<1024xf32, #tpu.memory_space<vmem>>, vector<16xf32>,
    %get3A_559 = vector.shape_cast %get3A_558 : vector<16xf32> to vector<16xf32>
    %get3A_560 = arith.constant 336 : index
    %get3A_561 = tpu.vector_load %arg6[%get3A_560] {strides = array<i32>} : memref<1024xf32, #tpu.memory_space<vmem>>, vector<16xf32>,
    %get3A_562 = vector.shape_cast %get3A_561 : vector<16xf32> to vector<16xf32>
    %sub3A_563 = arith.subf %get3A_559, %get3A_562 : vector<16xf32>
    %mul3A_564 = arith.constant 0.00219722465 : f32
    %mul3A_565 = vector.broadcast %mul3A_564 : f32 to vector<16xf32>
    %mul3A_566 = arith.mulf %sub3A_563, %mul3A_565 : vector<16xf32>
    %exp3A_567 = math.exp %mul3A_566 : vector<16xf32>
    %add3A_568 = arith.constant 1.000000e+00 : f32
    %add3A_569 = vector.broadcast %add3A_568 : f32 to vector<16xf32>
    %add3A_570 = arith.addf %add3A_569, %exp3A_567 : vector<16xf32>
    %div3A_571 = arith.constant 1.000000e+00 : f32
    %div3A_572 = vector.broadcast %div3A_571 : f32 to vector<16xf32>
    %div3A_573 = arith.divf %div3A_572, %add3A_570 : vector<16xf32>
    %swap3A_574 = arith.constant 336 : index
    %swap3A_575 = tpu.vector_load %arg7[%swap3A_574] {strides = array<i32>} : memref<512xf32, #tpu.memory_space<vmem>>, vector<16xf32>,
    %swap3A_576 = vector.shape_cast %swap3A_575 : vector<16xf32> to vector<16xf32>
    %swap3A_577 = vector.shape_cast %div3A_573 : vector<16xf32> to vector<16xf32>
    tpu.vector_store %arg7[%swap3A_574], %swap3A_577 {strides = array<i32>} : memref<512xf32, #tpu.memory_space<vmem>>, vector<16xf32>,
    %get3A_578 = arith.constant 864 : index
    %get3A_579 = tpu.vector_load %arg6[%get3A_578] {strides = array<i32>} : memref<1024xf32, #tpu.memory_space<vmem>>, vector<16xf32>,
    %get3A_580 = vector.shape_cast %get3A_579 : vector<16xf32> to vector<16xf32>
    %get3A_581 = arith.constant 352 : index
    %get3A_582 = tpu.vector_load %arg6[%get3A_581] {strides = array<i32>} : memref<1024xf32, #tpu.memory_space<vmem>>, vector<16xf32>,
    %get3A_583 = vector.shape_cast %get3A_582 : vector<16xf32> to vector<16xf32>
    %sub3A_584 = arith.subf %get3A_580, %get3A_583 : vector<16xf32>
    %mul3A_585 = arith.constant 0.00219722465 : f32
    %mul3A_586 = vector.broadcast %mul3A_585 : f32 to vector<16xf32>
    %mul3A_587 = arith.mulf %sub3A_584, %mul3A_586 : vector<16xf32>
    %exp3A_588 = math.exp %mul3A_587 : vector<16xf32>
    %add3A_589 = arith.constant 1.000000e+00 : f32
    %add3A_590 = vector.broadcast %add3A_589 : f32 to vector<16xf32>
    %add3A_591 = arith.addf %add3A_590, %exp3A_588 : vector<16xf32>
    %div3A_592 = arith.constant 1.000000e+00 : f32
    %div3A_593 = vector.broadcast %div3A_592 : f32 to vector<16xf32>
    %div3A_594 = arith.divf %div3A_593, %add3A_591 : vector<16xf32>
    %swap3A_595 = arith.constant 352 : index
    %swap3A_596 = tpu.vector_load %arg7[%swap3A_595] {strides = array<i32>} : memref<512xf32, #tpu.memory_space<vmem>>, vector<16xf32>,
    %swap3A_597 = vector.shape_cast %swap3A_596 : vector<16xf32> to vector<16xf32>
    %swap3A_598 = vector.shape_cast %div3A_594 : vector<16xf32> to vector<16xf32>
    tpu.vector_store %arg7[%swap3A_595], %swap3A_598 {strides = array<i32>} : memref<512xf32, #tpu.memory_space<vmem>>, vector<16xf32>,
    %get3A_599 = arith.constant 880 : index
    %get3A_600 = tpu.vector_load %arg6[%get3A_599] {strides = array<i32>} : memref<1024xf32, #tpu.memory_space<vmem>>, vector<16xf32>,
    %get3A_601 = vector.shape_cast %get3A_600 : vector<16xf32> to vector<16xf32>
    %get3A_602 = arith.constant 368 : index
    %get3A_603 = tpu.vector_load %arg6[%get3A_602] {strides = array<i32>} : memref<1024xf32, #tpu.memory_space<vmem>>, vector<16xf32>,
    %get3A_604 = vector.shape_cast %get3A_603 : vector<16xf32> to vector<16xf32>
    %sub3A_605 = arith.subf %get3A_601, %get3A_604 : vector<16xf32>
    %mul3A_606 = arith.constant 0.00219722465 : f32
    %mul3A_607 = vector.broadcast %mul3A_606 : f32 to vector<16xf32>
    %mul3A_608 = arith.mulf %sub3A_605, %mul3A_607 : vector<16xf32>
    %exp3A_609 = math.exp %mul3A_608 : vector<16xf32>
    %add3A_610 = arith.constant 1.000000e+00 : f32
    %add3A_611 = vector.broadcast %add3A_610 : f32 to vector<16xf32>
    %add3A_612 = arith.addf %add3A_611, %exp3A_609 : vector<16xf32>
    %div3A_613 = arith.constant 1.000000e+00 : f32
    %div3A_614 = vector.broadcast %div3A_613 : f32 to vector<16xf32>
    %div3A_615 = arith.divf %div3A_614, %add3A_612 : vector<16xf32>
    %swap3A_616 = arith.constant 368 : index
    %swap3A_617 = tpu.vector_load %arg7[%swap3A_616] {strides = array<i32>} : memref<512xf32, #tpu.memory_space<vmem>>, vector<16xf32>,
    %swap3A_618 = vector.shape_cast %swap3A_617 : vector<16xf32> to vector<16xf32>
    %swap3A_619 = vector.shape_cast %div3A_615 : vector<16xf32> to vector<16xf32>
    tpu.vector_store %arg7[%swap3A_616], %swap3A_619 {strides = array<i32>} : memref<512xf32, #tpu.memory_space<vmem>>, vector<16xf32>,
    %dma_wait3A_620 = arith.constant 384 : i32
    %dma_wait3A_621 = tpu.memref_slice %arg6[%dma_wait3A_620] : memref<1024xf32, #tpu.memory_space<vmem>> -> memref<128xf32, #tpu.memory_space<vmem>>
    %dma_wait3A_622 = arith.constant 384 : i32
    %dma_wait3A_623 = tpu.memref_slice %arg5[%dma_wait3A_622] : memref<1024xi32, #tpu.memory_space<vmem>> -> memref<128xi32, #tpu.memory_space<vmem>>
    %dma_wait3A_624 = arith.constant 0 : i32
    %dma_wait3A_625 = tpu.memref_slice %arg3[%dma_wait3A_624] : memref<1000000xf32, #tpu.memory_space<hbm>> -> memref<1000000xf32, #tpu.memory_space<hbm>>
    tpu.wait_indirect_dma semaphore(%arg12 : memref<!tpu.dma_semaphore, #tpu.memory_space<semaphore_mem>>) src(%dma_wait3A_625 : memref<1000000xf32, #tpu.memory_space<hbm>>) dst(%dma_wait3A_621 : memref<128xf32, #tpu.memory_space<vmem>>)
    %dma_wait3A_626 = arith.constant 896 : i32
    %dma_wait3A_627 = tpu.memref_slice %arg6[%dma_wait3A_626] : memref<1024xf32, #tpu.memory_space<vmem>> -> memref<128xf32, #tpu.memory_space<vmem>>
    %dma_wait3A_628 = arith.constant 896 : i32
    %dma_wait3A_629 = tpu.memref_slice %arg5[%dma_wait3A_628] : memref<1024xi32, #tpu.memory_space<vmem>> -> memref<128xi32, #tpu.memory_space<vmem>>
    %dma_wait3A_630 = arith.constant 0 : i32
    %dma_wait3A_631 = tpu.memref_slice %arg3[%dma_wait3A_630] : memref<1000000xf32, #tpu.memory_space<hbm>> -> memref<1000000xf32, #tpu.memory_space<hbm>>
    tpu.wait_indirect_dma semaphore(%arg12 : memref<!tpu.dma_semaphore, #tpu.memory_space<semaphore_mem>>) src(%dma_wait3A_631 : memref<1000000xf32, #tpu.memory_space<hbm>>) dst(%dma_wait3A_627 : memref<128xf32, #tpu.memory_space<vmem>>)
    %get3A_632 = arith.constant 896 : index
    %get3A_633 = tpu.vector_load %arg6[%get3A_632] {strides = array<i32>} : memref<1024xf32, #tpu.memory_space<vmem>>, vector<16xf32>,
    %get3A_634 = vector.shape_cast %get3A_633 : vector<16xf32> to vector<16xf32>
    %get3A_635 = arith.constant 384 : index
    %get3A_636 = tpu.vector_load %arg6[%get3A_635] {strides = array<i32>} : memref<1024xf32, #tpu.memory_space<vmem>>, vector<16xf32>,
    %get3A_637 = vector.shape_cast %get3A_636 : vector<16xf32> to vector<16xf32>
    %sub3A_638 = arith.subf %get3A_634, %get3A_637 : vector<16xf32>
    %mul3A_639 = arith.constant 0.00219722465 : f32
    %mul3A_640 = vector.broadcast %mul3A_639 : f32 to vector<16xf32>
    %mul3A_641 = arith.mulf %sub3A_638, %mul3A_640 : vector<16xf32>
    %exp3A_642 = math.exp %mul3A_641 : vector<16xf32>
    %add3A_643 = arith.constant 1.000000e+00 : f32
    %add3A_644 = vector.broadcast %add3A_643 : f32 to vector<16xf32>
    %add3A_645 = arith.addf %add3A_644, %exp3A_642 : vector<16xf32>
    %div3A_646 = arith.constant 1.000000e+00 : f32
    %div3A_647 = vector.broadcast %div3A_646 : f32 to vector<16xf32>
    %div3A_648 = arith.divf %div3A_647, %add3A_645 : vector<16xf32>
    %swap3A_649 = arith.constant 384 : index
    %swap3A_650 = tpu.vector_load %arg7[%swap3A_649] {strides = array<i32>} : memref<512xf32, #tpu.memory_space<vmem>>, vector<16xf32>,
    %swap3A_651 = vector.shape_cast %swap3A_650 : vector<16xf32> to vector<16xf32>
    %swap3A_652 = vector.shape_cast %div3A_648 : vector<16xf32> to vector<16xf32>
    tpu.vector_store %arg7[%swap3A_649], %swap3A_652 {strides = array<i32>} : memref<512xf32, #tpu.memory_space<vmem>>, vector<16xf32>,
    %get3A_653 = arith.constant 912 : index
    %get3A_654 = tpu.vector_load %arg6[%get3A_653] {strides = array<i32>} : memref<1024xf32, #tpu.memory_space<vmem>>, vector<16xf32>,
    %get3A_655 = vector.shape_cast %get3A_654 : vector<16xf32> to vector<16xf32>
    %get3A_656 = arith.constant 400 : index
    %get3A_657 = tpu.vector_load %arg6[%get3A_656] {strides = array<i32>} : memref<1024xf32, #tpu.memory_space<vmem>>, vector<16xf32>,
    %get3A_658 = vector.shape_cast %get3A_657 : vector<16xf32> to vector<16xf32>
    %sub3A_659 = arith.subf %get3A_655, %get3A_658 : vector<16xf32>
    %mul3A_660 = arith.constant 0.00219722465 : f32
    %mul3A_661 = vector.broadcast %mul3A_660 : f32 to vector<16xf32>
    %mul3A_662 = arith.mulf %sub3A_659, %mul3A_661 : vector<16xf32>
    %exp3A_663 = math.exp %mul3A_662 : vector<16xf32>
    %add3A_664 = arith.constant 1.000000e+00 : f32
    %add3A_665 = vector.broadcast %add3A_664 : f32 to vector<16xf32>
    %add3A_666 = arith.addf %add3A_665, %exp3A_663 : vector<16xf32>
    %div3A_667 = arith.constant 1.000000e+00 : f32
    %div3A_668 = vector.broadcast %div3A_667 : f32 to vector<16xf32>
    %div3A_669 = arith.divf %div3A_668, %add3A_666 : vector<16xf32>
    %swap3A_670 = arith.constant 400 : index
    %swap3A_671 = tpu.vector_load %arg7[%swap3A_670] {strides = array<i32>} : memref<512xf32, #tpu.memory_space<vmem>>, vector<16xf32>,
    %swap3A_672 = vector.shape_cast %swap3A_671 : vector<16xf32> to vector<16xf32>
    %swap3A_673 = vector.shape_cast %div3A_669 : vector<16xf32> to vector<16xf32>
    tpu.vector_store %arg7[%swap3A_670], %swap3A_673 {strides = array<i32>} : memref<512xf32, #tpu.memory_space<vmem>>, vector<16xf32>,
    %get3A_674 = arith.constant 928 : index
    %get3A_675 = tpu.vector_load %arg6[%get3A_674] {strides = array<i32>} : memref<1024xf32, #tpu.memory_space<vmem>>, vector<16xf32>,
    %get3A_676 = vector.shape_cast %get3A_675 : vector<16xf32> to vector<16xf32>
    %get3A_677 = arith.constant 416 : index
    %get3A_678 = tpu.vector_load %arg6[%get3A_677] {strides = array<i32>} : memref<1024xf32, #tpu.memory_space<vmem>>, vector<16xf32>,
    %get3A_679 = vector.shape_cast %get3A_678 : vector<16xf32> to vector<16xf32>
    %sub3A_680 = arith.subf %get3A_676, %get3A_679 : vector<16xf32>
    %mul3A_681 = arith.constant 0.00219722465 : f32
    %mul3A_682 = vector.broadcast %mul3A_681 : f32 to vector<16xf32>
    %mul3A_683 = arith.mulf %sub3A_680, %mul3A_682 : vector<16xf32>
    %exp3A_684 = math.exp %mul3A_683 : vector<16xf32>
    %add3A_685 = arith.constant 1.000000e+00 : f32
    %add3A_686 = vector.broadcast %add3A_685 : f32 to vector<16xf32>
    %add3A_687 = arith.addf %add3A_686, %exp3A_684 : vector<16xf32>
    %div3A_688 = arith.constant 1.000000e+00 : f32
    %div3A_689 = vector.broadcast %div3A_688 : f32 to vector<16xf32>
    %div3A_690 = arith.divf %div3A_689, %add3A_687 : vector<16xf32>
    %swap3A_691 = arith.constant 416 : index
    %swap3A_692 = tpu.vector_load %arg7[%swap3A_691] {strides = array<i32>} : memref<512xf32, #tpu.memory_space<vmem>>, vector<16xf32>,
    %swap3A_693 = vector.shape_cast %swap3A_692 : vector<16xf32> to vector<16xf32>
    %swap3A_694 = vector.shape_cast %div3A_690 : vector<16xf32> to vector<16xf32>
    tpu.vector_store %arg7[%swap3A_691], %swap3A_694 {strides = array<i32>} : memref<512xf32, #tpu.memory_space<vmem>>, vector<16xf32>,
    %get3A_695 = arith.constant 944 : index
    %get3A_696 = tpu.vector_load %arg6[%get3A_695] {strides = array<i32>} : memref<1024xf32, #tpu.memory_space<vmem>>, vector<16xf32>,
    %get3A_697 = vector.shape_cast %get3A_696 : vector<16xf32> to vector<16xf32>
    %get3A_698 = arith.constant 432 : index
    %get3A_699 = tpu.vector_load %arg6[%get3A_698] {strides = array<i32>} : memref<1024xf32, #tpu.memory_space<vmem>>, vector<16xf32>,
    %get3A_700 = vector.shape_cast %get3A_699 : vector<16xf32> to vector<16xf32>
    %sub3A_701 = arith.subf %get3A_697, %get3A_700 : vector<16xf32>
    %mul3A_702 = arith.constant 0.00219722465 : f32
    %mul3A_703 = vector.broadcast %mul3A_702 : f32 to vector<16xf32>
    %mul3A_704 = arith.mulf %sub3A_701, %mul3A_703 : vector<16xf32>
    %exp3A_705 = math.exp %mul3A_704 : vector<16xf32>
    %add3A_706 = arith.constant 1.000000e+00 : f32
    %add3A_707 = vector.broadcast %add3A_706 : f32 to vector<16xf32>
    %add3A_708 = arith.addf %add3A_707, %exp3A_705 : vector<16xf32>
    %div3A_709 = arith.constant 1.000000e+00 : f32
    %div3A_710 = vector.broadcast %div3A_709 : f32 to vector<16xf32>
    %div3A_711 = arith.divf %div3A_710, %add3A_708 : vector<16xf32>
    %swap3A_712 = arith.constant 432 : index
    %swap3A_713 = tpu.vector_load %arg7[%swap3A_712] {strides = array<i32>} : memref<512xf32, #tpu.memory_space<vmem>>, vector<16xf32>,
    %swap3A_714 = vector.shape_cast %swap3A_713 : vector<16xf32> to vector<16xf32>
    %swap3A_715 = vector.shape_cast %div3A_711 : vector<16xf32> to vector<16xf32>
    tpu.vector_store %arg7[%swap3A_712], %swap3A_715 {strides = array<i32>} : memref<512xf32, #tpu.memory_space<vmem>>, vector<16xf32>,
    %get3A_716 = arith.constant 960 : index
    %get3A_717 = tpu.vector_load %arg6[%get3A_716] {strides = array<i32>} : memref<1024xf32, #tpu.memory_space<vmem>>, vector<16xf32>,
    %get3A_718 = vector.shape_cast %get3A_717 : vector<16xf32> to vector<16xf32>
    %get3A_719 = arith.constant 448 : index
    %get3A_720 = tpu.vector_load %arg6[%get3A_719] {strides = array<i32>} : memref<1024xf32, #tpu.memory_space<vmem>>, vector<16xf32>,
    %get3A_721 = vector.shape_cast %get3A_720 : vector<16xf32> to vector<16xf32>
    %sub3A_722 = arith.subf %get3A_718, %get3A_721 : vector<16xf32>
    %mul3A_723 = arith.constant 0.00219722465 : f32
    %mul3A_724 = vector.broadcast %mul3A_723 : f32 to vector<16xf32>
    %mul3A_725 = arith.mulf %sub3A_722, %mul3A_724 : vector<16xf32>
    %exp3A_726 = math.exp %mul3A_725 : vector<16xf32>
    %add3A_727 = arith.constant 1.000000e+00 : f32
    %add3A_728 = vector.broadcast %add3A_727 : f32 to vector<16xf32>
    %add3A_729 = arith.addf %add3A_728, %exp3A_726 : vector<16xf32>
    %div3A_730 = arith.constant 1.000000e+00 : f32
    %div3A_731 = vector.broadcast %div3A_730 : f32 to vector<16xf32>
    %div3A_732 = arith.divf %div3A_731, %add3A_729 : vector<16xf32>
    %swap3A_733 = arith.constant 448 : index
    %swap3A_734 = tpu.vector_load %arg7[%swap3A_733] {strides = array<i32>} : memref<512xf32, #tpu.memory_space<vmem>>, vector<16xf32>,
    %swap3A_735 = vector.shape_cast %swap3A_734 : vector<16xf32> to vector<16xf32>
    %swap3A_736 = vector.shape_cast %div3A_732 : vector<16xf32> to vector<16xf32>
    tpu.vector_store %arg7[%swap3A_733], %swap3A_736 {strides = array<i32>} : memref<512xf32, #tpu.memory_space<vmem>>, vector<16xf32>,
    %get3A_737 = arith.constant 976 : index
    %get3A_738 = tpu.vector_load %arg6[%get3A_737] {strides = array<i32>} : memref<1024xf32, #tpu.memory_space<vmem>>, vector<16xf32>,
    %get3A_739 = vector.shape_cast %get3A_738 : vector<16xf32> to vector<16xf32>
    %get3A_740 = arith.constant 464 : index
    %get3A_741 = tpu.vector_load %arg6[%get3A_740] {strides = array<i32>} : memref<1024xf32, #tpu.memory_space<vmem>>, vector<16xf32>,
    %get3A_742 = vector.shape_cast %get3A_741 : vector<16xf32> to vector<16xf32>
    %sub3A_743 = arith.subf %get3A_739, %get3A_742 : vector<16xf32>
    %mul3A_744 = arith.constant 0.00219722465 : f32
    %mul3A_745 = vector.broadcast %mul3A_744 : f32 to vector<16xf32>
    %mul3A_746 = arith.mulf %sub3A_743, %mul3A_745 : vector<16xf32>
    %exp3A_747 = math.exp %mul3A_746 : vector<16xf32>
    %add3A_748 = arith.constant 1.000000e+00 : f32
    %add3A_749 = vector.broadcast %add3A_748 : f32 to vector<16xf32>
    %add3A_750 = arith.addf %add3A_749, %exp3A_747 : vector<16xf32>
    %div3A_751 = arith.constant 1.000000e+00 : f32
    %div3A_752 = vector.broadcast %div3A_751 : f32 to vector<16xf32>
    %div3A_753 = arith.divf %div3A_752, %add3A_750 : vector<16xf32>
    %swap3A_754 = arith.constant 464 : index
    %swap3A_755 = tpu.vector_load %arg7[%swap3A_754] {strides = array<i32>} : memref<512xf32, #tpu.memory_space<vmem>>, vector<16xf32>,
    %swap3A_756 = vector.shape_cast %swap3A_755 : vector<16xf32> to vector<16xf32>
    %swap3A_757 = vector.shape_cast %div3A_753 : vector<16xf32> to vector<16xf32>
    tpu.vector_store %arg7[%swap3A_754], %swap3A_757 {strides = array<i32>} : memref<512xf32, #tpu.memory_space<vmem>>, vector<16xf32>,
    %get3A_758 = arith.constant 992 : index
    %get3A_759 = tpu.vector_load %arg6[%get3A_758] {strides = array<i32>} : memref<1024xf32, #tpu.memory_space<vmem>>, vector<16xf32>,
    %get3A_760 = vector.shape_cast %get3A_759 : vector<16xf32> to vector<16xf32>
    %get3A_761 = arith.constant 480 : index
    %get3A_762 = tpu.vector_load %arg6[%get3A_761] {strides = array<i32>} : memref<1024xf32, #tpu.memory_space<vmem>>, vector<16xf32>,
    %get3A_763 = vector.shape_cast %get3A_762 : vector<16xf32> to vector<16xf32>
    %sub3A_764 = arith.subf %get3A_760, %get3A_763 : vector<16xf32>
    %mul3A_765 = arith.constant 0.00219722465 : f32
    %mul3A_766 = vector.broadcast %mul3A_765 : f32 to vector<16xf32>
    %mul3A_767 = arith.mulf %sub3A_764, %mul3A_766 : vector<16xf32>
    %exp3A_768 = math.exp %mul3A_767 : vector<16xf32>
    %add3A_769 = arith.constant 1.000000e+00 : f32
    %add3A_770 = vector.broadcast %add3A_769 : f32 to vector<16xf32>
    %add3A_771 = arith.addf %add3A_770, %exp3A_768 : vector<16xf32>
    %div3A_772 = arith.constant 1.000000e+00 : f32
    %div3A_773 = vector.broadcast %div3A_772 : f32 to vector<16xf32>
    %div3A_774 = arith.divf %div3A_773, %add3A_771 : vector<16xf32>
    %swap3A_775 = arith.constant 480 : index
    %swap3A_776 = tpu.vector_load %arg7[%swap3A_775] {strides = array<i32>} : memref<512xf32, #tpu.memory_space<vmem>>, vector<16xf32>,
    %swap3A_777 = vector.shape_cast %swap3A_776 : vector<16xf32> to vector<16xf32>
    %swap3A_778 = vector.shape_cast %div3A_774 : vector<16xf32> to vector<16xf32>
    tpu.vector_store %arg7[%swap3A_775], %swap3A_778 {strides = array<i32>} : memref<512xf32, #tpu.memory_space<vmem>>, vector<16xf32>,
    %get3A_779 = arith.constant 1008 : index
    %get3A_780 = tpu.vector_load %arg6[%get3A_779] {strides = array<i32>} : memref<1024xf32, #tpu.memory_space<vmem>>, vector<16xf32>,
    %get3A_781 = vector.shape_cast %get3A_780 : vector<16xf32> to vector<16xf32>
    %get3A_782 = arith.constant 496 : index
    %get3A_783 = tpu.vector_load %arg6[%get3A_782] {strides = array<i32>} : memref<1024xf32, #tpu.memory_space<vmem>>, vector<16xf32>,
    %get3A_784 = vector.shape_cast %get3A_783 : vector<16xf32> to vector<16xf32>
    %sub3A_785 = arith.subf %get3A_781, %get3A_784 : vector<16xf32>
    %mul3A_786 = arith.constant 0.00219722465 : f32
    %mul3A_787 = vector.broadcast %mul3A_786 : f32 to vector<16xf32>
    %mul3A_788 = arith.mulf %sub3A_785, %mul3A_787 : vector<16xf32>
    %exp3A_789 = math.exp %mul3A_788 : vector<16xf32>
    %add3A_790 = arith.constant 1.000000e+00 : f32
    %add3A_791 = vector.broadcast %add3A_790 : f32 to vector<16xf32>
    %add3A_792 = arith.addf %add3A_791, %exp3A_789 : vector<16xf32>
    %div3A_793 = arith.constant 1.000000e+00 : f32
    %div3A_794 = vector.broadcast %div3A_793 : f32 to vector<16xf32>
    %div3A_795 = arith.divf %div3A_794, %add3A_792 : vector<16xf32>
    %swap3A_796 = arith.constant 496 : index
    %swap3A_797 = tpu.vector_load %arg7[%swap3A_796] {strides = array<i32>} : memref<512xf32, #tpu.memory_space<vmem>>, vector<16xf32>,
    %swap3A_798 = vector.shape_cast %swap3A_797 : vector<16xf32> to vector<16xf32>
    %swap3A_799 = vector.shape_cast %div3A_795 : vector<16xf32> to vector<16xf32>
    tpu.vector_store %arg7[%swap3A_796], %swap3A_799 {strides = array<i32>} : memref<512xf32, #tpu.memory_space<vmem>>, vector<16xf32>,
    "tpu.region"() ({
      %run_scoped3A = tpu.sem_alloc : memref<!tpu.dma_semaphore, #tpu.memory_space<semaphore_mem>>
      %dma_start3A_800 = tpu.memref_slice %arg4[%mul3A_2] : memref<16384xf32, #tpu.memory_space<hbm>> -> memref<512xf32, #tpu.memory_space<hbm>>
      %dma_start3A_801 = tpu.memref_slice %arg4[%mul3A_2] : memref<16384xf32, #tpu.memory_space<hbm>> -> memref<512xf32, #tpu.memory_space<hbm>>
      tpu.enqueue_dma source(%arg7 : memref<512xf32, #tpu.memory_space<vmem>>) target(%dma_start3A_801 : memref<512xf32, #tpu.memory_space<hbm>>) target_semaphore(%run_scoped3A : memref<!tpu.dma_semaphore, #tpu.memory_space<semaphore_mem>>)
      %dma_wait3A_802 = tpu.memref_slice %arg4[%mul3A_2] : memref<16384xf32, #tpu.memory_space<hbm>> -> memref<512xf32, #tpu.memory_space<hbm>>
      %dma_wait3A_803 = tpu.memref_slice %arg4[%mul3A_2] : memref<16384xf32, #tpu.memory_space<hbm>> -> memref<512xf32, #tpu.memory_space<hbm>>
      tpu.wait_dma2 semaphore(%run_scoped3A : memref<!tpu.dma_semaphore, #tpu.memory_space<semaphore_mem>>) src(%arg7 : memref<512xf32, #tpu.memory_space<vmem>>) dst(%dma_wait3A_803 : memref<512xf32, #tpu.memory_space<hbm>>)
      tpu.yield
    }) : () -> ()
    return
  }
}

</mosaic_0001>

<sc_bundles>
// kernel: kernel.3.cloned.1.call-start
scs
__scs_entry_jumppad:
0x0: {  	(pc) =	sbr.rel $0x88, $3  }
0x1: {  	(tag) =	ssettag $0x0;
	lr =	simm.s32 $0x1  }
0x2: {  	[smem:$0x3F9F] =	sst lr;
	_ =	strace $0xD0000000  }
0x3: {  	_ = 	snop  }
0x4: {  	_ = 	snop  }
0x5: {  	_ = 	snop  }
0x6: {  	_ = 	snop  }
0x7: {  	_ = 	snop  }
__scs_overlays_trampoline_lowered:
0x8: {  	[smem:$0x3FAE] =	sst s0  }
0x9: {  	[smem:$0x3FAF] =	sst s1  }
0xa: {  	[smem:$0x3FB0] =	sst s2  }
0xb: {  	[smem:$0x3FB1] =	sst s3  }
0xc: {  	[smem:$0x3FB2] =	sst s4  }
0xd: {  	[smem:$0x3FB3] =	sst s5  }
0xe: {  	[smem:$0x3FB4] =	sst s6  }
0xf: {  	[smem:$0x3FB5] =	sst s7  }
0x10: {  	[smem:$0x3FB6] =	sst s8  }
0x11: {  	[smem:$0x3FB7] =	sst s9;
	s0 =	simm.s32 @!p0 $0x0  }
0x12: {  	s1 =	sld [smem:$0x3F9D];
	s0 =	simm.s32 @p0 $0x1  }
0x13: {  	[smem:$0x3FB8] =	sst s0;
	s0 =	simm.s32 @!p1 $0x0  }
0x14: {  	s2 =	sld [smem:$0x3F9C];
	s0 =	simm.s32 @p1 $0x1  }
0x15: {  	[smem:$0x3FB9] =	sst s0;
	s0 =	simm.s32 @!p2 $0x0  }
0x16: {  	s3 =	sld [smem:$0x3FDB];
	s0 =	simm.s32 @p2 $0x1  }
0x17: {  	s4 =	simm.s32 $0x1BF5;
	[smem:$0x3FBB] =	sst s0  }
0x18: {  	s0 =	sld [smem:$0x3F9E];
	_ =	swait.ge [sflag:s4], $0x0  }
0x19: {  	s7 =	sld [smem:$0x3F9F]  }
0x1a: {  	s8 =	sadd.s32 $0xFFFFE003, lr  }
0x1b: {  	s9 =	sadd.s32 $0xFFFFFEF7, lr;
	s5 =	simm.s32 $0xFFFFFFFF;
	p2 =	slt.u32 s8, $0xFFFFF086  }
0x1c: {  	p1 =	slt.u32 s9, $0xF7A;
	s5 =	simm.s32 @!p2 $0x0  }
0x1d: {  	s5 =	simm.s32 @p1 $0x1;
	p0 =	seq.s32 s7, s2  }
0x1e: {  	s7 =	smul.u32 @!p0 $0xF7A, s2;
	p2 =	seq.s32 @!p0 s5, $0x0  }
0x1f: {  	s9 =	smul.u32 $0xF7A, s1;
	s8 =	simm.s32 @!p0 $0x1BF5;
	p2 =	por !p2, p0  }
0x20: {  	[sflag:s8] =	ssyncset.s32 @!p0 $0xFFFFF086;
	s6 =	sadd.s32 @!p0 s3, s7;
	s7 =	simm.s32 @!p0 $0x108  }
0x21: {  	s3 =	sadd.s32 s3, s9;
	s6 =	sadd.s32 @!p0 $0x88, s6;
	s7 =	simm.s32 @p2 $0x1082  }
0x22: {  	[simem:s7], [sflag:s8] =	dma.local @!p0 [hbm:s6], $0xF7A  }
0x23: {  	s9 =	sor.u32 $0xD0000000, s2;
	s6 =	simm.s32 $0x108;
	_ =	swait.ge @!p0 [sflag:s8], $0x0  }
0x24: {  	s3 =	sadd.s32 $0x88, s3;
	s6 =	simm.s32 @!p1 $0x1082;
	[sflag:s4] =	ssyncset.s32 $0xFFFFF086  }
0x25: {  	[simem:s6], [sflag:s4] =	dma.local [hbm:s3], $0xF7A  }
0x26: {  	[smem:$0x3F9F] =	sst s1;
	(tag) =	ssettag s2;
	_ =	strace s9  }
0x27: {  	s1 =	sld [smem:$0x3FAF]  }
0x28: {  	s2 =	sld [smem:$0x3FB0]  }
0x29: {  	s4 =	sld [smem:$0x3FB2]  }
0x2a: {  	p0 =	seq.s32 s5, $0x0;
	s5 =	sld [smem:$0x3FB3]  }
0x2b: {  	s6 =	sld [smem:$0x3FB4]  }
0x2c: {  	s7 =	sld [smem:$0x3FB5]  }
0x2d: {  	s3 =	simm.s32 $0x108;
	s8 =	sld [smem:$0x3FB6]  }
0x2e: {  	s3 =	simm.s32 @!p0 $0x1082;
	s9 =	sld [smem:$0x3FB7]  }
0x2f: {  	lr =	sadd.s32 s0, s3;
	s0 =	sld [smem:$0x3FAE]  }
0x30: {  	s3 =	sld [smem:$0x3FB1]  }
0x31: {  	[smem:$0x3FBA] =	sst s10  }
0x32: {  	s10 =	sld [smem:$0x3FB8];
	_ =	sdelay $0x3  }
0x33: {  	p0 =	seq.s32 s10, $0x1;
	s10 =	sld [smem:$0x3FBA];
	_ =	sdelay $0x3  }
0x34: {  	[smem:$0x3FBA] =	sst s10  }
0x35: {  	s10 =	sld [smem:$0x3FB9];
	_ =	sdelay $0x3  }
0x36: {  	p1 =	seq.s32 s10, $0x1;
	s10 =	sld [smem:$0x3FBA];
	_ =	sdelay $0x3  }
0x37: {  	[smem:$0x3FBA] =	sst s10  }
0x38: {  	s10 =	sld [smem:$0x3FBB]  }
0x39: {  	_ = 	snop;
	(pc) =	sbr.ind lr, $3  }
0x3a: {  	_ = 	snop  }
0x3b: {  	_ = 	snop  }
0x3c: {  	p2 =	seq.s32 s10, $0x1;
	s10 =	sld [smem:$0x3FBA]  }
0x3d: {  	_ =	shalt  }
0x3e: {  	_ =	shalt  }
0x3f: {  	_ =	shalt  }
0x40: {  	_ =	shalt  }
0x41: {  	_ =	shalt  }
0x42: {  	_ =	shalt  }
0x43: {  	_ =	shalt  }
0x44: {  	_ =	shalt  }
0x45: {  	_ =	shalt  }
0x46: {  	_ =	shalt  }
0x47: {  	_ =	shalt  }
0x48: {  	_ =	shalt  }
0x49: {  	_ =	shalt  }
0x4a: {  	_ =	shalt  }
0x4b: {  	_ =	shalt  }
0x4c: {  	_ =	shalt  }
0x4d: {  	_ =	shalt  }
0x4e: {  	_ =	shalt  }
0x4f: {  	_ =	shalt  }
0x50: {  	_ =	shalt  }
0x51: {  	_ =	shalt  }
0x52: {  	_ =	shalt  }
0x53: {  	_ =	shalt  }
0x54: {  	_ =	shalt  }
0x55: {  	_ =	shalt  }
0x56: {  	_ =	shalt  }
0x57: {  	_ =	shalt  }
0x58: {  	_ =	shalt  }
0x59: {  	_ =	shalt  }
0x5a: {  	_ =	shalt  }
0x5b: {  	_ =	shalt  }
0x5c: {  	_ =	shalt  }
0x5d: {  	_ =	shalt  }
0x5e: {  	_ =	shalt  }
0x5f: {  	_ =	shalt  }
0x60: {  	_ =	shalt  }
0x61: {  	_ =	shalt  }
0x62: {  	_ =	shalt  }
0x63: {  	_ =	shalt  }
0x64: {  	_ =	shalt  }
0x65: {  	_ =	shalt  }
0x66: {  	_ =	shalt  }
0x67: {  	_ =	shalt  }
0x68: {  	_ =	shalt  }
0x69: {  	_ =	shalt  }
0x6a: {  	_ =	shalt  }
0x6b: {  	_ =	shalt  }
0x6c: {  	_ =	shalt  }
0x6d: {  	_ =	shalt  }
0x6e: {  	_ =	shalt  }
0x6f: {  	_ =	shalt  }
0x70: {  	_ =	shalt  }
0x71: {  	_ =	shalt  }
0x72: {  	_ =	shalt  }
0x73: {  	_ =	shalt  }
0x74: {  	_ =	shalt  }
0x75: {  	_ =	shalt  }
0x76: {  	_ =	shalt  }
0x77: {  	_ =	shalt  }
0x78: {  	_ =	shalt  }
0x79: {  	_ =	shalt  }
0x7a: {  	_ =	shalt  }
0x7b: {  	_ =	shalt  }
0x7c: {  	_ =	shalt  }
0x7d: {  	_ =	shalt  }
0x7e: {  	_ =	shalt  }
0x7f: {  	_ =	shalt  }
0x80: {  	_ =	shalt  }
0x81: {  	_ =	shalt  }
0x82: {  	_ =	shalt  }
0x83: {  	_ =	shalt  }
0x84: {  	_ =	shalt  }
0x85: {  	_ =	shalt  }
0x86: {  	_ =	shalt  }
0x87: {  	_ =	shalt  }
.Lfunc_end0:
.L_simem_size_0:
called_computation_lowered:
.L_overlay_start_0:
0x88: {  	s2 =	sld [smem:$0x3FD9]  }
0x89: {  	s3 =	sld [smem:$0x3FFE];
	_ =	sdelay $0x1  }
0x8a: {  	s1 =	srdreg.scid  }
0x8b: {  	s0 =	sand.u32 $0x1, s1  }
0x8c: {  	s17 =	sshll.u32 s0, $0xA;
	s2 =	sadd.s32 s3, s2  }
0x8d: {  	s2 =	sadd.s32 s2, s17  }
0x8e: {  	[smem:$0x3FC6] =	sst s2  }
0x8f: {  	_ = 	snop  }
0x90: {  	s2 =	sld [smem:$0x3FD0];
	(tm) =	ssettm $0x1  }
0x91: {  	s18 =	sld [smem:$0x3FFB];
	_ =	sdelay $0x3  }
0x92: {  	_ =	strace s18  }
0x93: {  	s3 =	sld [smem:$0x3FFC];
	_ =	sdelay $0x3  }
0x94: {  	_ =	strace s3  }
0x95: {  	s3 =	sld [smem:$0x3FFD];
	_ =	sdelay $0x3  }
0x96: {  	_ =	strace s3  }
0x97: {  	_ =	strace $0x8FFFFFFF  }
0x98: {  	s19 =	sld [smem:$0x3FDB];
	_ =	sdelay $0x1  }
0x99: {  	s4 =	simm.s32 $_scs_section_size  }
0x9a: {  	s5 =	simm.s32 $_size__tile_overlayer_lowered;
	s6 =	simm.s32 $_tile_overlayer_lowered  }
0x9b: {  	s22 =	simm.s32 $0x1BFF;
	s21 =	sshll.u32 s6, $0x1;
	s3 =	sadd.s32 s4, s19  }
0x9c: {  	s7 =	simm.s32 $0x0;
	s20 =	sshll.u32 s5, $0x1;
	s5 =	sadd.s32 s21, s3  }
0x9d: {  	[timem:s7], [sflag:s22] =	dma.local [hbm:s5], s20  }
0x9e: {  	_ =	swait.ge [sflag:s22], s20  }
0x9f: {  	s4 =	ssub.s32 $0x0, s20;
	[sflag:s22] =	ssyncset.done $0x0  }
0xa0: {  	[sflag:s22] =	ssyncadd.s32 s4;
	_ =	sdelay $0x1  }
0xa1: {  	s23 =	simm.s32 $0x1B8B  }
0xa2: {  	_ =	swait.ge [sflag:s23], $0x1  }
0xa3: {  	[sflag:s23] =	ssyncset.done $0x0  }
0xa4: {  	s25 =	simm.s32 $0x1B8E;
	s24 =	sld [smem:$0x3FFE];
	[sflag:s23] =	ssyncadd.s32 $0xFFFFFFFF  }
0xa5: {  	s26 =	simm.s32 $execute0_lowered;
	[smem:$0x3FD2] =	sst s25  }
0xa6: {  	s5 =	sshll.u32 s26, $0x1;
	_ =	strace $0x80000046;
	[dreg:$0x1] =	wrdreg $0xFFFFFFFF  }
0xa7: {  	s28 =	simm.s32 $_size_execute0_lowered;
	s3 =	sadd.s32 s3, s5;
	[dreg:$0x0] =	wrdreg $0x0  }
0xa8: {  	s5 =	sshll.u32 s28, $0x1;
	[dreg:$0x2] =	wrdreg s3  }
0xa9: {  	[dreg:$0x3] =	wrdreg s5  }
0xaa: {  	[dreg:$0x4] =	wrdreg $0xC0  }
0xab: {  	_ =	task [dreg:s7], $0x5FFFF  }
0xac: {  	[dreg:$0x1] =	wrdreg $0xFFFFFFFF  }
0xad: {  	[dreg:$0x0] =	wrdreg $0x60  }
0xae: {  	[dreg:$0x2] =	wrdreg s2  }
0xaf: {  	[dreg:$0x3] =	wrdreg s24  }
0xb0: {  	[dreg:$0x4] =	wrdreg $0x9  }
0xb1: {  	_ =	task.clear_ibuf [dreg:s7], $0x5FFFF;
	_ =	strace $0x90000046  }
0xb2: {  	s29 =	simm.s32 $0x9;
	_ =	strace $0x80000048  }
0xb3: {  	_ =	swait.ge [sflag:s29], $0x1  }
0xb4: {  	[sflag:s29] =	ssyncadd.s32 $0xFFFFFFFF  }
0xb5: {  	_ =	strace $0x90000048  }
0xb6: {  	_ =	sfence  }
0xb7: {  	s30 =	sld [smem:$0x0];
	_ =	sdelay $0x2  }
0xb8: {  	s31 =	sshll.u32 s1, $0xD;
	s1 =	sshrl.u32 s1, $0x2  }
0xb9: {  	s3 =	sand.u32 $0x4000, s31;
	s1 =	sadd.s32 s1, s30  }
0xba: {  	s0 =	sor.u32 s3, s0;
	s1 =	sshll.u32 s1, $0x11  }
0xbb: {  	s0 =	sor.u32 s1, s0  }
0xbc: {  	s0 =	sadd.s32 $0x8F2B, s0  }
0xbd: {  	[sflag:s0] =	ssyncadd.remote.s32 $0x1  }
0xbe: {  	_ =	sfence.sel $0xFFFF  }
0xbf: {  	[dreg:$0x0] =	wrdreg $0xFFFFFFFF;
	(pc) =	sbr.abs _section_cstart, $3  }
0xc0: {  	[dreg:$0x1] =	wrdreg $0xFFFFFFFF  }
0xc1: {  	_ =	task.clear_ibuf [dreg:s7], $0x2FFFF;
	_ =	strace $0x9FFFFFFF  }
0xc2: {  	(tm) =	ssettm $0x7FFFFFFF  }
0xc3: {  	_ =	shalt  }
tec
execute0_lowered:
.L_overlay_start_1:
0x0: {  	(tag) =	ssettag $0x1  }
0x1: {  	s4 =	rddreg [dreg:$0x0]  }
0x2: {  	s5 =	rddreg [dreg:$0x1]  }
0x3: {  	s0 =	rddreg [dreg:$0x2]  }
0x4: {  	s3 =	srdreg.scid;
	s2 =	simm.s32 $0x0;
	s1 =	stileid.u32  }
0x5: {  	s10 =	simm.s32 $0x200;
	s11 =	simm.s32 $0x1;
	s12 =	simm.s32 $0x400  }
0x6: {  	s13 =	simm.s32 $0x480;
	s14 =	simm.s32 $0x500;
	s15 =	simm.s32 $0x180  }
0x7: {  	s16 =	simm.s32 $0x580;
	s17 =	simm.s32 $0x600;
	s18 =	simm.s32 $0x280  }
0x8: {  	s19 =	simm.s32 $0x680;
	s20 =	simm.s32 $0x300;
	s21 =	simm.s32 $0x700  }
0x9: {  	s22 =	simm.s32 $0x380;
	s23 =	simm.s32 $0x780;
	s24 =	simm.s32 $0x2  }
0xa: {  	s25 =	simm.s32 $0x3;
	s28 =	simm.s32 $0x5;
	s29 =	simm.s32 $0x800  }
0xb: {  	s30 =	simm.s32 $0x6;
	s6 =	sand.u32 $0x1, s3;
	[smem:$0x7FF] =	sst s2  }
0xc: {  	s26 =	sshll.u32 s1, $0xA;
	s3 =	sadd.s32 $0x400, s5;
	s7 =	sshll.u32 s6, $0x9  }
0xd: {  	_ =	strace $0x80000047;
	s6 =	ssub.s32 $0x2, s6;
	s7 =	sor.u32 s7, s26  }
0xe: {  	s9 =	sshrl.u32 s6, $0x1;
	s26 =	simm.s32 $0x4;
	s8 =	sshrl.u32 s7, $0x2  }
0xf: {  	s7 =	sshrl.u32 s7, $0x3;
	s31 =	ssub.s32 s6, s9;
	s9 =	simm.s32 $0x100  }
0x10: {  	s4 =	sadd.s32 s4, s8;
	s7 =	sadd.s32 s7, s5;
	s8 =	simm.s32 $0x80  }
0x11: {  	s5 =	sadd.s32 $0x10, s4;
	s6 =	sadd.s32 $0x1EE00, s7;
	s7 =	smax.u32 s31, $0x1  }
.LBB2_1:
0x12: {  	[tilespmem:s2], [sflag:$0x1] =	stream.strided.gather [hbm4b:s4+s8], $0x200, s9, s8, $0x38;
	[tilespmem:$0xA00] =	vst v63  }
0x13: {  	_ = 	snop  }
0x14: {  	[tilespmem:s10], [sflag:$0x1] =	stream.strided.gather [hbm4b:s5+s8], $0x200, s9, s8, $0x38;
	[tilespmem:$0xA00] =	vst v63  }
0x15: {  	_ =	swait.ge [sflag:s11], $0x200  }
0x16: {  	[sflag:s11] =	ssyncset.done $0x0  }
0x17: {  	[sflag:s11] =	ssyncadd.s32 $0xFFFFFE00  }
0x18: {  	[tilespmem:s12], [sflag:$0x2] =	stream.indirect.gather [hbm4b:s3+s8], $0x1, s2, s8, $0xb8;
	[tilespmem:$0xA00] =	vst v63  }
0x19: {  	_ = 	snop  }
0x1a: {  	[tilespmem:s13], [sflag:$0x3] =	stream.indirect.gather [hbm4b:s3+s8], $0x1, s8, s8, $0xb8;
	[tilespmem:$0xA00] =	vst v63  }
0x1b: {  	_ = 	snop  }
0x1c: {  	[tilespmem:s14], [sflag:$0x4] =	stream.indirect.gather [hbm4b:s3+s8], $0x1, s9, s8, $0xb8;
	[tilespmem:$0xA00] =	vst v63  }
0x1d: {  	_ = 	snop  }
0x1e: {  	[tilespmem:s16], [sflag:$0x5] =	stream.indirect.gather [hbm4b:s3+s8], $0x1, s15, s8, $0xb8;
	[tilespmem:$0xA00] =	vst v63  }
0x1f: {  	_ =	swait.ge [sflag:s11], $0x200  }
0x20: {  	[sflag:s11] =	ssyncset.done $0x0  }
0x21: {  	[sflag:s11] =	ssyncadd.s32 $0xFFFFFE00  }
0x22: {  	[tilespmem:s17], [sflag:$0x2] =	stream.indirect.gather [hbm4b:s3+s8], $0x1, s10, s8, $0xb8;
	[tilespmem:$0xA00] =	vst v63  }
0x23: {  	_ = 	snop  }
0x24: {  	[tilespmem:s19], [sflag:$0x3] =	stream.indirect.gather [hbm4b:s3+s8], $0x1, s18, s8, $0xb8;
	[tilespmem:$0xA00] =	vst v63  }
0x25: {  	_ = 	snop  }
0x26: {  	[tilespmem:s21], [sflag:$0x4] =	stream.indirect.gather [hbm4b:s3+s8], $0x1, s20, s8, $0xb8;
	[tilespmem:$0xA00] =	vst v63  }
0x27: {  	_ = 	snop  }
0x28: {  	[tilespmem:s23], [sflag:$0x5] =	stream.indirect.gather [hbm4b:s3+s8], $0x1, s22, s8, $0xb8;
	[tilespmem:$0xA00] =	vst v63  }
0x29: {  	_ =	swait.ge [sflag:s24], $0x80  }
0x2a: {  	[sflag:s24] =	ssyncset.done $0x0  }
0x2b: {  	[sflag:s24] =	ssyncadd.s32 $0xFFFFFF80  }
0x2c: {  	_ =	swait.ge [sflag:s24], $0x80  }
0x2d: {  	[sflag:s24] =	ssyncset.done $0x0  }
0x2e: {  	[sflag:s24] =	ssyncadd.s32 $0xFFFFFF80  }
0x2f: {  	v0 =	vld [tilespmem:$0x600]  }
0x30: {  	v1 =	vld [tilespmem:$0x400];
	_ =	sdelay $0x4  }
0x31: {  	v0 =	vsub.f32 v0, v1;
	_ =	sdelay $0x1  }
0x32: {  	v0 =	vmul.f32 $2.197224650e-03, v0;
	_ =	sdelay $0x1  }
0x33: {  	v0 =	vmul.f32 $1.442695020e+00, v0;
	_ =	sdelay $0x1  }
0x34: {  	(erf) = vpow2.f32 v0  }
0x35: {  	v55 =	vld [tilespmem:$0x610]  }
0x36: {  	v56 =	vld [tilespmem:$0x410];
	_ =	sdelay $0x4  }
0x37: {  	v0 =	vsub.f32 v55, v56;
	_ =	sdelay $0x1  }
0x38: {  	v0 =	vmul.f32 $2.197224650e-03, v0;
	v57 =	vpop (erf)  }
0x39: {  	v1 =	vadd.f32 $1.000000000e+00, v57  }
0x3a: {  	v0 =	vmul.f32 $1.442695020e+00, v0  }
0x3b: {  	(erf) = vrcp.f32 v1  }
0x3c: {  	(erf) = vpow2.f32 v0  }
0x3d: {  	v58 =	vld [tilespmem:$0x620]  }
0x3e: {  	v59 =	vld [tilespmem:$0x420];
	_ =	sdelay $0x4  }
0x3f: {  	v0 =	vsub.f32 v58, v59  }
0x40: {  	v60 =	vpop (erf)  }
0x41: {  	v0 =	vmul.f32 $2.197224650e-03, v0;
	v2 =	vpop (erf)  }
0x42: {  	v2 =	vadd.f32 $1.000000000e+00, v2  }
0x43: {  	v0 =	vmul.f32 $1.442695020e+00, v0  }
0x44: {  	(erf) = vrcp.f32 v2  }
0x45: {  	(erf) = vpow2.f32 v0  }
0x46: {  	v61 =	vld [tilespmem:$0x630]  }
0x47: {  	v62 =	vld [tilespmem:$0x430];
	_ =	sdelay $0x4  }
0x48: {  	v0 =	vsub.f32 v61, v62  }
0x49: {  	v63 =	vpop (erf)  }
0x4a: {  	v0 =	vmul.f32 $2.197224650e-03, v0;
	v3 =	vpop (erf)  }
0x4b: {  	v3 =	vadd.f32 $1.000000000e+00, v3  }
0x4c: {  	v0 =	vmul.f32 $1.442695020e+00, v0  }
0x4d: {  	(erf) = vrcp.f32 v3  }
0x4e: {  	(erf) = vpow2.f32 v0  }
0x4f: {  	v9 =	vld [tilespmem:$0x640]  }
0x50: {  	v10 =	vld [tilespmem:$0x440];
	_ =	sdelay $0x4  }
0x51: {  	v0 =	vsub.f32 v9, v10  }
0x52: {  	v11 =	vpop (erf)  }
0x53: {  	v0 =	vmul.f32 $2.197224650e-03, v0;
	v4 =	vpop (erf)  }
0x54: {  	v4 =	vadd.f32 $1.000000000e+00, v4  }
0x55: {  	v0 =	vmul.f32 $1.442695020e+00, v0  }
0x56: {  	(erf) = vrcp.f32 v4  }
0x57: {  	(erf) = vpow2.f32 v0  }
0x58: {  	v12 =	vld [tilespmem:$0x650]  }
0x59: {  	v13 =	vld [tilespmem:$0x450];
	_ =	sdelay $0x4  }
0x5a: {  	v0 =	vsub.f32 v12, v13  }
0x5b: {  	v14 =	vpop (erf)  }
0x5c: {  	v0 =	vmul.f32 $2.197224650e-03, v0;
	v5 =	vpop (erf)  }
0x5d: {  	v5 =	vadd.f32 $1.000000000e+00, v5  }
0x5e: {  	v0 =	vmul.f32 $1.442695020e+00, v0  }
0x5f: {  	(erf) = vrcp.f32 v5  }
0x60: {  	(erf) = vpow2.f32 v0  }
0x61: {  	v15 =	vld [tilespmem:$0x660]  }
0x62: {  	v16 =	vld [tilespmem:$0x460];
	_ =	sdelay $0x4  }
0x63: {  	v0 =	vsub.f32 v15, v16  }
0x64: {  	v17 =	vpop (erf)  }
0x65: {  	v0 =	vmul.f32 $2.197224650e-03, v0;
	v6 =	vpop (erf)  }
0x66: {  	v6 =	vadd.f32 $1.000000000e+00, v6  }
0x67: {  	v0 =	vmul.f32 $1.442695020e+00, v0  }
0x68: {  	(erf) = vrcp.f32 v6  }
0x69: {  	(erf) = vpow2.f32 v0  }
0x6a: {  	v18 =	vld [tilespmem:$0x670]  }
0x6b: {  	v19 =	vld [tilespmem:$0x470];
	_ =	sdelay $0x4  }
0x6c: {  	v0 =	vsub.f32 v18, v19  }
0x6d: {  	v20 =	vpop (erf)  }
0x6e: {  	v0 =	vmul.f32 $2.197224650e-03, v0;
	v7 =	vpop (erf)  }
0x6f: {  	v7 =	vadd.f32 $1.000000000e+00, v7  }
0x70: {  	v0 =	vmul.f32 $1.442695020e+00, v0  }
0x71: {  	(erf) = vrcp.f32 v7  }
0x72: {  	(erf) = vpow2.f32 v0;
	_ =	sdelay $0x7  }
0x73: {  	v21 =	vpop (erf)  }
0x74: {  	v22 =	vpop (erf)  }
0x75: {  	v7 =	vadd.f32 $1.000000000e+00, v22;
	_ =	sdelay $0x1  }
0x76: {  	(erf) = vrcp.f32 v7;
	_ =	sdelay $0x2  }
0x77: {  	[tilespmem:$0x800] =	vst v60  }
0x78: {  	[tilespmem:$0x810] =	vst v63  }
0x79: {  	[tilespmem:$0x820] =	vst v11  }
0x7a: {  	[tilespmem:$0x830] =	vst v14  }
0x7b: {  	[tilespmem:$0x840] =	vst v17  }
0x7c: {  	[tilespmem:$0x850] =	vst v20  }
0x7d: {  	[tilespmem:$0x860] =	vst v21;
	v23 =	vpop (erf)  }
0x7e: {  	[tilespmem:$0x870] =	vst v23  }
0x7f: {  	_ =	swait.ge [sflag:s25], $0x80  }
0x80: {  	[sflag:s25] =	ssyncset.done $0x0  }
0x81: {  	[sflag:s25] =	ssyncadd.s32 $0xFFFFFF80  }
0x82: {  	_ =	swait.ge [sflag:s25], $0x80  }
0x83: {  	[sflag:s25] =	ssyncset.done $0x0  }
0x84: {  	[sflag:s25] =	ssyncadd.s32 $0xFFFFFF80  }
0x85: {  	v24 =	vld [tilespmem:$0x680]  }
0x86: {  	v25 =	vld [tilespmem:$0x480];
	_ =	sdelay $0x4  }
0x87: {  	v0 =	vsub.f32 v24, v25;
	_ =	sdelay $0x1  }
0x88: {  	v0 =	vmul.f32 $2.197224650e-03, v0;
	_ =	sdelay $0x1  }
0x89: {  	v0 =	vmul.f32 $1.442695020e+00, v0;
	_ =	sdelay $0x1  }
0x8a: {  	(erf) = vpow2.f32 v0  }
0x8b: {  	v26 =	vld [tilespmem:$0x690]  }
0x8c: {  	v27 =	vld [tilespmem:$0x490];
	_ =	sdelay $0x4  }
0x8d: {  	v0 =	vsub.f32 v26, v27;
	_ =	sdelay $0x1  }
0x8e: {  	v0 =	vmul.f32 $2.197224650e-03, v0;
	v28 =	vpop (erf)  }
0x8f: {  	v1 =	vadd.f32 $1.000000000e+00, v28  }
0x90: {  	v0 =	vmul.f32 $1.442695020e+00, v0  }
0x91: {  	(erf) = vrcp.f32 v1  }
0x92: {  	(erf) = vpow2.f32 v0  }
0x93: {  	v29 =	vld [tilespmem:$0x6A0]  }
0x94: {  	v30 =	vld [tilespmem:$0x4A0];
	_ =	sdelay $0x4  }
0x95: {  	v0 =	vsub.f32 v29, v30  }
0x96: {  	v31 =	vpop (erf)  }
0x97: {  	v0 =	vmul.f32 $2.197224650e-03, v0;
	v32 =	vpop (erf)  }
0x98: {  	v2 =	vadd.f32 $1.000000000e+00, v32  }
0x99: {  	v0 =	vmul.f32 $1.442695020e+00, v0  }
0x9a: {  	(erf) = vrcp.f32 v2  }
0x9b: {  	(erf) = vpow2.f32 v0  }
0x9c: {  	v33 =	vld [tilespmem:$0x6B0]  }
0x9d: {  	v34 =	vld [tilespmem:$0x4B0];
	_ =	sdelay $0x4  }
0x9e: {  	v0 =	vsub.f32 v33, v34  }
0x9f: {  	v35 =	vpop (erf)  }
0xa0: {  	v0 =	vmul.f32 $2.197224650e-03, v0;
	v36 =	vpop (erf)  }
0xa1: {  	v3 =	vadd.f32 $1.000000000e+00, v36  }
0xa2: {  	v0 =	vmul.f32 $1.442695020e+00, v0  }
0xa3: {  	(erf) = vrcp.f32 v3  }
0xa4: {  	(erf) = vpow2.f32 v0  }
0xa5: {  	v37 =	vld [tilespmem:$0x6C0]  }
0xa6: {  	v38 =	vld [tilespmem:$0x4C0];
	_ =	sdelay $0x4  }
0xa7: {  	v0 =	vsub.f32 v37, v38  }
0xa8: {  	v39 =	vpop (erf)  }
0xa9: {  	v0 =	vmul.f32 $2.197224650e-03, v0;
	v40 =	vpop (erf)  }
0xaa: {  	v4 =	vadd.f32 $1.000000000e+00, v40  }
0xab: {  	v0 =	vmul.f32 $1.442695020e+00, v0  }
0xac: {  	(erf) = vrcp.f32 v4  }
0xad: {  	(erf) = vpow2.f32 v0  }
0xae: {  	v41 =	vld [tilespmem:$0x6D0]  }
0xaf: {  	v42 =	vld [tilespmem:$0x4D0];
	_ =	sdelay $0x4  }
0xb0: {  	v0 =	vsub.f32 v41, v42  }
0xb1: {  	v43 =	vpop (erf)  }
0xb2: {  	v0 =	vmul.f32 $2.197224650e-03, v0;
	v44 =	vpop (erf)  }
0xb3: {  	v5 =	vadd.f32 $1.000000000e+00, v44  }
0xb4: {  	v0 =	vmul.f32 $1.442695020e+00, v0  }
0xb5: {  	(erf) = vrcp.f32 v5  }
0xb6: {  	(erf) = vpow2.f32 v0  }
0xb7: {  	v45 =	vld [tilespmem:$0x6E0]  }
0xb8: {  	v46 =	vld [tilespmem:$0x4E0];
	_ =	sdelay $0x4  }
0xb9: {  	v0 =	vsub.f32 v45, v46  }
0xba: {  	v47 =	vpop (erf)  }
0xbb: {  	v0 =	vmul.f32 $2.197224650e-03, v0;
	v48 =	vpop (erf)  }
0xbc: {  	v6 =	vadd.f32 $1.000000000e+00, v48  }
0xbd: {  	v0 =	vmul.f32 $1.442695020e+00, v0  }
0xbe: {  	(erf) = vrcp.f32 v6  }
0xbf: {  	(erf) = vpow2.f32 v0  }
0xc0: {  	v49 =	vld [tilespmem:$0x6F0]  }
0xc1: {  	v50 =	vld [tilespmem:$0x4F0];
	_ =	sdelay $0x4  }
0xc2: {  	v0 =	vsub.f32 v49, v50  }
0xc3: {  	v51 =	vpop (erf)  }
0xc4: {  	v0 =	vmul.f32 $2.197224650e-03, v0;
	v52 =	vpop (erf)  }
0xc5: {  	v7 =	vadd.f32 $1.000000000e+00, v52  }
0xc6: {  	v0 =	vmul.f32 $1.442695020e+00, v0  }
0xc7: {  	(erf) = vrcp.f32 v7  }
0xc8: {  	(erf) = vpow2.f32 v0;
	_ =	sdelay $0x7  }
0xc9: {  	v53 =	vpop (erf)  }
0xca: {  	v54 =	vpop (erf)  }
0xcb: {  	v7 =	vadd.f32 $1.000000000e+00, v54;
	_ =	sdelay $0x1  }
0xcc: {  	(erf) = vrcp.f32 v7;
	_ =	sdelay $0x2  }
0xcd: {  	[tilespmem:$0x880] =	vst v31  }
0xce: {  	[tilespmem:$0x890] =	vst v35  }
0xcf: {  	[tilespmem:$0x8A0] =	vst v39  }
0xd0: {  	[tilespmem:$0x8B0] =	vst v43  }
0xd1: {  	[tilespmem:$0x8C0] =	vst v47  }
0xd2: {  	[tilespmem:$0x8D0] =	vst v51  }
0xd3: {  	[tilespmem:$0x8E0] =	vst v53;
	v55 =	vpop (erf)  }
0xd4: {  	[tilespmem:$0x8F0] =	vst v55  }
0xd5: {  	_ =	swait.ge [sflag:s26], $0x80  }
0xd6: {  	[sflag:s26] =	ssyncset.done $0x0  }
0xd7: {  	[sflag:s26] =	ssyncadd.s32 $0xFFFFFF80  }
0xd8: {  	_ =	swait.ge [sflag:s26], $0x80  }
0xd9: {  	[sflag:s26] =	ssyncset.done $0x0  }
0xda: {  	[sflag:s26] =	ssyncadd.s32 $0xFFFFFF80  }
0xdb: {  	v56 =	vld [tilespmem:$0x700]  }
0xdc: {  	v57 =	vld [tilespmem:$0x500];
	_ =	sdelay $0x4  }
0xdd: {  	v0 =	vsub.f32 v56, v57;
	_ =	sdelay $0x1  }
0xde: {  	v0 =	vmul.f32 $2.197224650e-03, v0;
	_ =	sdelay $0x1  }
0xdf: {  	v0 =	vmul.f32 $1.442695020e+00, v0;
	_ =	sdelay $0x1  }
0xe0: {  	(erf) = vpow2.f32 v0  }
0xe1: {  	v58 =	vld [tilespmem:$0x710]  }
0xe2: {  	v59 =	vld [tilespmem:$0x510];
	_ =	sdelay $0x4  }
0xe3: {  	v0 =	vsub.f32 v58, v59;
	_ =	sdelay $0x1  }
0xe4: {  	v0 =	vmul.f32 $2.197224650e-03, v0;
	v60 =	vpop (erf)  }
0xe5: {  	v1 =	vadd.f32 $1.000000000e+00, v60  }
0xe6: {  	v0 =	vmul.f32 $1.442695020e+00, v0  }
0xe7: {  	(erf) = vrcp.f32 v1  }
0xe8: {  	(erf) = vpow2.f32 v0  }
0xe9: {  	v61 =	vld [tilespmem:$0x720]  }
0xea: {  	v62 =	vld [tilespmem:$0x520];
	_ =	sdelay $0x4  }
0xeb: {  	v0 =	vsub.f32 v61, v62  }
0xec: {  	v63 =	vpop (erf)  }
0xed: {  	v0 =	vmul.f32 $2.197224650e-03, v0;
	v8 =	vpop (erf)  }
0xee: {  	v2 =	vadd.f32 $1.000000000e+00, v8  }
0xef: {  	v0 =	vmul.f32 $1.442695020e+00, v0  }
0xf0: {  	(erf) = vrcp.f32 v2  }
0xf1: {  	(erf) = vpow2.f32 v0  }
0xf2: {  	v9 =	vld [tilespmem:$0x730]  }
0xf3: {  	v10 =	vld [tilespmem:$0x530];
	_ =	sdelay $0x4  }
0xf4: {  	v0 =	vsub.f32 v9, v10  }
0xf5: {  	v11 =	vpop (erf)  }
0xf6: {  	v0 =	vmul.f32 $2.197224650e-03, v0;
	v12 =	vpop (erf)  }
0xf7: {  	v3 =	vadd.f32 $1.000000000e+00, v12  }
0xf8: {  	v0 =	vmul.f32 $1.442695020e+00, v0  }
0xf9: {  	(erf) = vrcp.f32 v3  }
0xfa: {  	(erf) = vpow2.f32 v0  }
0xfb: {  	v13 =	vld [tilespmem:$0x740]  }
0xfc: {  	v14 =	vld [tilespmem:$0x540];
	_ =	sdelay $0x4  }
0xfd: {  	v0 =	vsub.f32 v13, v14  }
0xfe: {  	v15 =	vpop (erf)  }
0xff: {  	v0 =	vmul.f32 $2.197224650e-03, v0;
	v16 =	vpop (erf)  }
0x100: {  	v4 =	vadd.f32 $1.000000000e+00, v16  }
0x101: {  	v0 =	vmul.f32 $1.442695020e+00, v0  }
0x102: {  	(erf) = vrcp.f32 v4  }
0x103: {  	(erf) = vpow2.f32 v0  }
0x104: {  	v17 =	vld [tilespmem:$0x750]  }
0x105: {  	v18 =	vld [tilespmem:$0x550];
	_ =	sdelay $0x4  }
0x106: {  	v0 =	vsub.f32 v17, v18  }
0x107: {  	v19 =	vpop (erf)  }
0x108: {  	v0 =	vmul.f32 $2.197224650e-03, v0;
	v20 =	vpop (erf)  }
0x109: {  	v5 =	vadd.f32 $1.000000000e+00, v20  }
0x10a: {  	v0 =	vmul.f32 $1.442695020e+00, v0  }
0x10b: {  	(erf) = vrcp.f32 v5  }
0x10c: {  	(erf) = vpow2.f32 v0  }
0x10d: {  	v21 =	vld [tilespmem:$0x760]  }
0x10e: {  	v22 =	vld [tilespmem:$0x560];
	_ =	sdelay $0x4  }
0x10f: {  	v0 =	vsub.f32 v21, v22  }
0x110: {  	v23 =	vpop (erf)  }
0x111: {  	v0 =	vmul.f32 $2.197224650e-03, v0;
	v24 =	vpop (erf)  }
0x112: {  	v6 =	vadd.f32 $1.000000000e+00, v24  }
0x113: {  	v0 =	vmul.f32 $1.442695020e+00, v0  }
0x114: {  	(erf) = vrcp.f32 v6  }
0x115: {  	(erf) = vpow2.f32 v0  }
0x116: {  	v25 =	vld [tilespmem:$0x770]  }
0x117: {  	v26 =	vld [tilespmem:$0x570];
	_ =	sdelay $0x4  }
0x118: {  	v0 =	vsub.f32 v25, v26  }
0x119: {  	v27 =	vpop (erf)  }
0x11a: {  	v0 =	vmul.f32 $2.197224650e-03, v0;
	v28 =	vpop (erf)  }
0x11b: {  	v7 =	vadd.f32 $1.000000000e+00, v28  }
0x11c: {  	v0 =	vmul.f32 $1.442695020e+00, v0  }
0x11d: {  	(erf) = vrcp.f32 v7  }
0x11e: {  	(erf) = vpow2.f32 v0;
	_ =	sdelay $0x7  }
0x11f: {  	v29 =	vpop (erf)  }
0x120: {  	v30 =	vpop (erf)  }
0x121: {  	v7 =	vadd.f32 $1.000000000e+00, v30;
	_ =	sdelay $0x1  }
0x122: {  	(erf) = vrcp.f32 v7;
	_ =	sdelay $0x2  }
0x123: {  	[tilespmem:$0x900] =	vst v63  }
0x124: {  	[tilespmem:$0x910] =	vst v11  }
0x125: {  	[tilespmem:$0x920] =	vst v15  }
0x126: {  	[tilespmem:$0x930] =	vst v19  }
0x127: {  	[tilespmem:$0x940] =	vst v23  }
0x128: {  	[tilespmem:$0x950] =	vst v27  }
0x129: {  	[tilespmem:$0x960] =	vst v29;
	v31 =	vpop (erf)  }
0x12a: {  	[tilespmem:$0x970] =	vst v31  }
0x12b: {  	_ =	swait.ge [sflag:s28], $0x80  }
0x12c: {  	[sflag:s28] =	ssyncset.done $0x0  }
0x12d: {  	[sflag:s28] =	ssyncadd.s32 $0xFFFFFF80  }
0x12e: {  	_ =	swait.ge [sflag:s28], $0x80  }
0x12f: {  	[sflag:s28] =	ssyncset.done $0x0  }
0x130: {  	[sflag:s28] =	ssyncadd.s32 $0xFFFFFF80  }
0x131: {  	v32 =	vld [tilespmem:$0x780]  }
0x132: {  	v33 =	vld [tilespmem:$0x580];
	_ =	sdelay $0x4  }
0x133: {  	v0 =	vsub.f32 v32, v33;
	_ =	sdelay $0x1  }
0x134: {  	v0 =	vmul.f32 $2.197224650e-03, v0;
	_ =	sdelay $0x1  }
0x135: {  	v0 =	vmul.f32 $1.442695020e+00, v0;
	_ =	sdelay $0x1  }
0x136: {  	(erf) = vpow2.f32 v0  }
0x137: {  	v34 =	vld [tilespmem:$0x790]  }
0x138: {  	v35 =	vld [tilespmem:$0x590];
	_ =	sdelay $0x4  }
0x139: {  	v0 =	vsub.f32 v34, v35;
	_ =	sdelay $0x1  }
0x13a: {  	v0 =	vmul.f32 $2.197224650e-03, v0;
	v36 =	vpop (erf)  }
0x13b: {  	v1 =	vadd.f32 $1.000000000e+00, v36  }
0x13c: {  	v0 =	vmul.f32 $1.442695020e+00, v0  }
0x13d: {  	(erf) = vrcp.f32 v1  }
0x13e: {  	(erf) = vpow2.f32 v0  }
0x13f: {  	v37 =	vld [tilespmem:$0x7A0]  }
0x140: {  	v38 =	vld [tilespmem:$0x5A0];
	_ =	sdelay $0x4  }
0x141: {  	v0 =	vsub.f32 v37, v38  }
0x142: {  	v39 =	vpop (erf)  }
0x143: {  	v0 =	vmul.f32 $2.197224650e-03, v0;
	v40 =	vpop (erf)  }
0x144: {  	v2 =	vadd.f32 $1.000000000e+00, v40  }
0x145: {  	v0 =	vmul.f32 $1.442695020e+00, v0  }
0x146: {  	(erf) = vrcp.f32 v2  }
0x147: {  	(erf) = vpow2.f32 v0  }
0x148: {  	v41 =	vld [tilespmem:$0x7B0]  }
0x149: {  	v42 =	vld [tilespmem:$0x5B0];
	_ =	sdelay $0x4  }
0x14a: {  	v0 =	vsub.f32 v41, v42  }
0x14b: {  	v43 =	vpop (erf)  }
0x14c: {  	v0 =	vmul.f32 $2.197224650e-03, v0;
	v44 =	vpop (erf)  }
0x14d: {  	v3 =	vadd.f32 $1.000000000e+00, v44  }
0x14e: {  	v0 =	vmul.f32 $1.442695020e+00, v0  }
0x14f: {  	(erf) = vrcp.f32 v3  }
0x150: {  	(erf) = vpow2.f32 v0  }
0x151: {  	v45 =	vld [tilespmem:$0x7C0]  }
0x152: {  	v46 =	vld [tilespmem:$0x5C0];
	_ =	sdelay $0x4  }
0x153: {  	v0 =	vsub.f32 v45, v46  }
0x154: {  	v47 =	vpop (erf)  }
0x155: {  	v0 =	vmul.f32 $2.197224650e-03, v0;
	v48 =	vpop (erf)  }
0x156: {  	v4 =	vadd.f32 $1.000000000e+00, v48  }
0x157: {  	v0 =	vmul.f32 $1.442695020e+00, v0  }
0x158: {  	(erf) = vrcp.f32 v4  }
0x159: {  	(erf) = vpow2.f32 v0  }
0x15a: {  	v49 =	vld [tilespmem:$0x7D0]  }
0x15b: {  	v50 =	vld [tilespmem:$0x5D0];
	_ =	sdelay $0x4  }
0x15c: {  	v0 =	vsub.f32 v49, v50  }
0x15d: {  	v51 =	vpop (erf)  }
0x15e: {  	v0 =	vmul.f32 $2.197224650e-03, v0;
	v52 =	vpop (erf)  }
0x15f: {  	v5 =	vadd.f32 $1.000000000e+00, v52  }
0x160: {  	v0 =	vmul.f32 $1.442695020e+00, v0  }
0x161: {  	(erf) = vrcp.f32 v5  }
0x162: {  	(erf) = vpow2.f32 v0  }
0x163: {  	v53 =	vld [tilespmem:$0x7E0]  }
0x164: {  	v54 =	vld [tilespmem:$0x5E0];
	_ =	sdelay $0x4  }
0x165: {  	v0 =	vsub.f32 v53, v54  }
0x166: {  	v55 =	vpop (erf)  }
0x167: {  	v0 =	vmul.f32 $2.197224650e-03, v0;
	v56 =	vpop (erf)  }
0x168: {  	v6 =	vadd.f32 $1.000000000e+00, v56  }
0x169: {  	v0 =	vmul.f32 $1.442695020e+00, v0  }
0x16a: {  	(erf) = vrcp.f32 v6  }
0x16b: {  	(erf) = vpow2.f32 v0  }
0x16c: {  	v57 =	vld [tilespmem:$0x7F0]  }
0x16d: {  	v58 =	vld [tilespmem:$0x5F0];
	_ =	sdelay $0x4  }
0x16e: {  	v0 =	vsub.f32 v57, v58  }
0x16f: {  	v59 =	vpop (erf)  }
0x170: {  	v0 =	vmul.f32 $2.197224650e-03, v0;
	v60 =	vpop (erf)  }
0x171: {  	v7 =	vadd.f32 $1.000000000e+00, v60  }
0x172: {  	v0 =	vmul.f32 $1.442695020e+00, v0  }
0x173: {  	(erf) = vrcp.f32 v7  }
0x174: {  	(erf) = vpow2.f32 v0;
	_ =	sdelay $0x7  }
0x175: {  	v61 =	vpop (erf)  }
0x176: {  	v62 =	vpop (erf)  }
0x177: {  	v7 =	vadd.f32 $1.000000000e+00, v62;
	_ =	sdelay $0x1  }
0x178: {  	(erf) = vrcp.f32 v7;
	_ =	sdelay $0x2  }
0x179: {  	[tilespmem:$0x980] =	vst v39  }
0x17a: {  	[tilespmem:$0x990] =	vst v43  }
0x17b: {  	[tilespmem:$0x9A0] =	vst v47  }
0x17c: {  	[tilespmem:$0x9B0] =	vst v51  }
0x17d: {  	[tilespmem:$0x9C0] =	vst v55  }
0x17e: {  	[tilespmem:$0x9D0] =	vst v59  }
0x17f: {  	p0 =	sne.s32 s7, $0x1;
	[tilespmem:$0x9E0] =	vst v61;
	v63 =	vpop (erf)  }
.Ltmp0:
0x180: {  	[tilespmem:$0x9F0] =	vst v63;
	(pc) =	sbr.rel @p0 .LBB2_1-.Ltmp0, $4  }
0x181: {  	[hbm4b:s6+s2] =	stream.linear.scatter [tilespmem:s29], [sflag:$0x6], $0x200, $0x38;
	[tilespmem:$0xA00] =	vst v63  }
0x182: {  	_ =	swait.ge [sflag:s30], $0x200  }
0x183: {  	[sflag:s30] =	ssyncset.done $0x0  }
0x184: {  	s7 =	sadd.s32 $0xFFFFFFFF, s7;
	[sflag:s30] =	ssyncadd.s32 $0xFFFFFE00  }
0x185: {  	_ =	sfence.sel $0x180000  }
0x186: {  	[bflag:$0x0] =	sbarrier.arrive $0xFFFF  }
0x187: {  	p0 =	sne.s32 s1, $0x0;
	_ =	strace $0x90000047  }
0x188: {  	s0 =	sadd.s32 @!p0 $0x100000, s0;
	[bflag:$0x2] =	sbarrier.arrive $0xFFFF  }
0x189: {  	[sflag:s0] =	ssyncadd.tile.s32 @!p0 $0x1;
	_ =	shalt  }
.Lfunc_end2:
_tile_overlayer_lowered:
.L_overlay_start_2:
0x18a: {  	(tag) =	ssettag $0x2  }
0x18b: {  	s0 =	rddreg [dreg:$0x0];
	s2 =	stileid.u32  }
0x18c: {  	s1 =	rddreg [dreg:$0x1];
	p0 =	sne.s32 s2, $0x0  }
0x18d: {  	s3 =	rddreg [dreg:$0x2];
	[bflag:$0x3] =	sbarrier.arrive $0xFFFF;
	s2 =	simm.s32 @!p0 $0x1C06  }
0x18e: {  	[timem:s3], [sflag:s2] =	dma.local @!p0 [hbm:s0], s1  }
0x18f: {  	s0 =	simm.s32 @!p0 $0x6  }
0x190: {  	_ =	swait.ge @!p0 [sflag:s0], s1  }
0x191: {  	s1 =	ssub.s32 @!p0 $0x0, s1;
	[sflag:s0] =	ssyncset.done @!p0 $0x0  }
0x192: {  	[sflag:s0] =	ssyncadd.s32 @!p0 s1  }
0x193: {  	[bflag:$0x3] =	sbarrier.arrive $0xFFFF  }
0x194: {  	_ =	shalt  }

</sc_bundles>
